<compile_context>
chip_gen: v7x
topology: tpu7x:2x2x1
jax: 0.10.2.dev20260603
libtpu: 0.0.44.dev20260713+nightly
codegen_flags: <defaults>
</compile_context>

<pallas_src>
import functools

import jax
import jax.numpy as jnp
from jax import lax
from jax.experimental import pallas as pl
from jax.experimental.pallas import tpu as pltpu
from jax.experimental.pallas import tpu_sc as plsc

N = 10000
P = 10240
DUMMY = N
NC, NS, L = 2, 16, 16
CH = 128
BN = 400


def _rows_per_tile():
    return P // NS



def _deg_body(dst_hbm, zz_hbm, out_hbm, idx_v, ones_v, acc_sh, nch):
    c = lax.axis_index("c")
    s = lax.axis_index("s")
    rpt = _rows_per_tile()
    r0 = s * rpt
    pltpu.sync_copy(zz_hbm.at[pl.ds(r0, rpt)], acc_sh.at[pl.ds(r0, rpt)])
    pltpu.sync_copy(dst_hbm.at[c, s], idx_v)
    ones16 = jnp.ones((16,), jnp.float32)

    def fill(i, carry):
        ones_v[i, :] = ones16
        return carry

    lax.fori_loop(0, CH, fill, 0)
    plsc.subcore_barrier()

    def body(j, carry):
        pltpu.sync_copy(ones_v, acc_sh.at[idx_v.at[j]], add=True)
        return carry

    lax.fori_loop(0, nch, body, 0)
    plsc.subcore_barrier()
    pltpu.sync_copy(acc_sh.at[pl.ds(r0, rpt)], out_hbm.at[c, pl.ds(r0, rpt)])


def _make_deg_kernel(nch):
    return pl.kernel(
        functools.partial(_deg_body, nch=nch),
        out_type=jax.ShapeDtypeStruct((NC, P, 16), jnp.float32),
        mesh=plsc.VectorSubcoreMesh(core_axis_name="c", subcore_axis_name="s"),
        scratch_types=[
            pltpu.VMEM((nch, CH), jnp.int32),
            pltpu.VMEM((CH, 16), jnp.float32),
            pltpu.VMEM_SHARED((P, 16), jnp.float32),
        ],
        compiler_params=pltpu.CompilerParams(use_tc_tiling_on_sc=False),
    )


def _agg_body(table_hbm, src_hbm, dst_hbm, zz_hbm, out_hbm,
              sidx_v, didx_v, bufs, acc_sh, sems,
              nch, feat, nb, dst_has_core):
    c = lax.axis_index("c")
    s = lax.axis_index("s")
    rpt = _rows_per_tile()
    r0 = s * rpt
    pltpu.sync_copy(zz_hbm.at[pl.ds(r0, rpt)], acc_sh.at[pl.ds(r0, rpt)])
    pltpu.sync_copy(src_hbm.at[c, s], sidx_v)
    if dst_has_core:
        pltpu.sync_copy(dst_hbm.at[c, s], didx_v)
    else:
        pltpu.sync_copy(dst_hbm.at[s], didx_v)
    plsc.subcore_barrier()

    for t in range(nb - 1):
        pltpu.async_copy(table_hbm.at[sidx_v.at[t]], bufs[t], sems[t])

    def step(j, carry):
        m = j % nb
        for b in range(nb):
            @pl.when(m == b)
            def _(b=b):
                pltpu.make_async_copy(
                    table_hbm.at[sidx_v.at[j]], bufs[b], sems[b]).wait()

                @pl.when(j + nb - 1 < nch)
                def _():
                    bn = (b + nb - 1) % nb
                    pltpu.async_copy(
                        table_hbm.at[sidx_v.at[j + nb - 1]], bufs[bn], sems[bn])

                pltpu.sync_copy(bufs[b], acc_sh.at[didx_v.at[j]], add=True)
        return carry

    lax.fori_loop(0, nch, step, 0)
    plsc.subcore_barrier()
    pltpu.sync_copy(acc_sh.at[pl.ds(r0, rpt)], out_hbm.at[c, pl.ds(r0, rpt)])


def _make_agg_kernel(nch, feat, nb, dst_has_core):
    return pl.kernel(
        functools.partial(_agg_body, nch=nch, feat=feat, nb=nb,
                          dst_has_core=dst_has_core),
        out_type=jax.ShapeDtypeStruct((NC, P, feat), jnp.float32),
        mesh=plsc.VectorSubcoreMesh(core_axis_name="c", subcore_axis_name="s"),
        scratch_types=[
            pltpu.VMEM((nch, CH), jnp.int32),
            pltpu.VMEM((nch, CH), jnp.int32),
            [pltpu.VMEM((CH, feat), jnp.float32)] * nb,
            pltpu.VMEM_SHARED((P, feat), jnp.float32),
            [pltpu.SemaphoreType.DMA] * nb,
        ],
        compiler_params=pltpu.CompilerParams(use_tc_tiling_on_sc=False),
    )



def _dinv_block(dga_ref):
    deg = 1.0 + dga_ref[0, :, 0] + dga_ref[1, :, 0]
    return lax.rsqrt(deg)[:, None]


def _tc0_body(x_ref, dga_ref, out_ref):
    dinv = _dinv_block(dga_ref)
    xs = x_ref[...] * dinv
    pad = jnp.zeros((xs.shape[0], 15), jnp.float32)
    out_ref[0] = jnp.concatenate([xs[:, :64], dinv, pad], axis=1)
    out_ref[1] = jnp.concatenate([xs[:, 64:], dinv, pad], axis=1)


def _tc12_body(agg_ref, x_ref, dga_ref, w1_ref, b1_ref, w2_ref, b2_ref, out_ref):
    dinv = _dinv_block(dga_ref)
    xs = x_ref[...] * dinv
    am = jnp.concatenate([agg_ref[0, :, :64] + xs[:, :64],
                          agg_ref[1, :, :64] + xs[:, 64:]], axis=1)
    sag = agg_ref[0, :, 64:65] + dinv
    h = jnp.maximum(
        (jnp.dot(am, w1_ref[...], preferred_element_type=jnp.float32)
         + sag * b1_ref[...]) * dinv, 0.0)
    out_ref[...] = (jnp.dot(h, w2_ref[...], preferred_element_type=jnp.float32)
                    + b2_ref[...]) * dinv


def _tc3_body(agg_ref, gs_ref, dga_ref, out_ref):
    dinv = _dinv_block(dga_ref)
    out_ref[...] = (agg_ref[0] + agg_ref[1] + gs_ref[...]) * dinv


def _tc0(x, dga):
    grid = N // BN
    return pl.pallas_call(
        _tc0_body,
        grid=(grid,),
        in_specs=[
            pl.BlockSpec((BN, 128), lambda i: (i, 0)),
            pl.BlockSpec((2, BN, 16), lambda i: (0, i, 0)),
        ],
        out_specs=pl.BlockSpec((2, BN, 80), lambda i: (0, i, 0)),
        out_shape=jax.ShapeDtypeStruct((2, N, 80), jnp.float32),
    )(x, dga)


def _tc12(agg, x, dga, w1, b1, w2, b2):
    grid = N // BN
    return pl.pallas_call(
        _tc12_body,
        grid=(grid,),
        in_specs=[
            pl.BlockSpec((2, BN, 80), lambda i: (0, i, 0)),
            pl.BlockSpec((BN, 128), lambda i: (i, 0)),
            pl.BlockSpec((2, BN, 16), lambda i: (0, i, 0)),
            pl.BlockSpec((128, 256), lambda i: (0, 0)),
            pl.BlockSpec((1, 256), lambda i: (0, 0)),
            pl.BlockSpec((256, 64), lambda i: (0, 0)),
            pl.BlockSpec((1, 64), lambda i: (0, 0)),
        ],
        out_specs=pl.BlockSpec((BN, 64), lambda i: (i, 0)),
        out_shape=jax.ShapeDtypeStruct((N, 64), jnp.float32),
    )(agg, x, dga, w1, b1, w2, b2)


def _tc3(agg, gs, dga):
    grid = N // BN
    return pl.pallas_call(
        _tc3_body,
        grid=(grid,),
        in_specs=[
            pl.BlockSpec((2, BN, 64), lambda i: (0, i, 0)),
            pl.BlockSpec((BN, 64), lambda i: (i, 0)),
            pl.BlockSpec((2, BN, 16), lambda i: (0, i, 0)),
        ],
        out_specs=pl.BlockSpec((BN, 64), lambda i: (i, 0)),
        out_shape=jax.ShapeDtypeStruct((N, 64), jnp.float32),
    )(agg, gs, dga)



def _pad_chunks(a, per, nch, fill):
    g = a.shape[0]
    pad = nch * CH - per
    padv = jnp.full((g, pad), fill, jnp.int32)
    return jnp.concatenate([a, padv], axis=1).reshape(g, nch, CH)


def kernel(x, edge_index, W1, b1, W2, b2):
    src = edge_index[0].astype(jnp.int32)
    dst = edge_index[1].astype(jnp.int32)
    E = src.shape[0]

    e1 = E // NS
    nch1 = -(-e1 // CH)
    s1 = _pad_chunks(src.reshape(NS, e1), e1, nch1, 0)
    d1 = _pad_chunks(dst.reshape(NS, e1), e1, nch1, DUMMY)
    src1 = jnp.stack([s1, s1 + N])

    e2 = E // (NC * NS)
    nch2 = -(-e2 // CH)
    s2 = _pad_chunks(src.reshape(NC * NS, e2), e2, nch2, 0).reshape(
        NC, NS, nch2, CH)
    d2 = _pad_chunks(dst.reshape(NC * NS, e2), e2, nch2, DUMMY).reshape(
        NC, NS, nch2, CH)

    zz16 = jnp.zeros((P, 16), jnp.float32)
    zz64 = jnp.zeros((P, 64), jnp.float32)
    zz80 = jnp.zeros((P, 80), jnp.float32)
    b1r = b1.reshape(1, 256)
    b2r = b2.reshape(1, 64)

    dga = _make_deg_kernel(nch2)(d2, zz16)

    xt = _tc0(x, dga)
    table1 = xt.reshape(2 * N, 80)
    aggx = _make_agg_kernel(nch1, 80, 3, False)(table1, src1, d1, zz80)

    gs = _tc12(aggx, x, dga, W1, b1r, W2, b2r)

    agg2 = _make_agg_kernel(nch2, 64, 6, True)(gs, s2, d2, zz64)

    return _tc3(agg2, gs, dga)

# --- scband reference (transcript-rebuilt; emitter-appended) ---
"""Pipeline reference for scband-model-29515015258440 (READ-ONLY COPY).

The authoritative reference and input builder live on the scoring server;
editing this copy changes nothing except your own understanding.
"""

import jax, jax.numpy as jnp
import numpy as np

N_NODES = 10000
N_EDGES = 320000
D_IN = 128
D_HID = 256
D_OUT = 64


def setup_inputs(seed: int = 0) -> dict:
    key = jax.random.key(seed)
    k1, k2, k3, k4, k5, k6 = jax.random.split(key, 6)
    x = jax.random.normal(k1, (N_NODES, D_IN), dtype=jnp.float32)
    edge_index = jax.random.randint(k2, (2, N_EDGES), 0, N_NODES, dtype=jnp.int64)
    W1 = jax.random.normal(k3, (D_IN, D_HID), dtype=jnp.float32) * (1.0 / np.sqrt(D_IN))
    b1 = jnp.zeros((D_HID,), dtype=jnp.float32)
    W2 = jax.random.normal(k4, (D_HID, D_OUT), dtype=jnp.float32) * (1.0 / np.sqrt(D_HID))
    b2 = jnp.zeros((D_OUT,), dtype=jnp.float32)
    return {"x": x, "edge_index": edge_index, "W1": W1, "b1": b1, "W2": W2, "b2": b2}


def _gcn_layer(h_in, W, b, src, dst, n):
    # linear transform
    h = h_in @ W + b
    # GCN symmetric normalization with self-loops (src/dst already include loops)
    ones = jnp.ones(src.shape[0], dtype=h.dtype)
    deg = jnp.zeros((n,), dtype=h.dtype).at[dst].add(ones)
    dinv = jnp.where(deg > 0, jax.lax.rsqrt(jnp.maximum(deg, 1e-12)), 0.0)
    norm = dinv[src] * dinv[dst]
    # gather messages from source nodes, scale, scatter-add to destinations
    msg = h[src] * norm[:, None]
    out = jnp.zeros((n, h.shape[1]), dtype=h.dtype).at[dst].add(msg)
    return out


def reference(x, edge_index, W1, b1, W2, b2):
    n = x.shape[0]
    loop = jnp.arange(n, dtype=edge_index.dtype)
    src = jnp.concatenate([edge_index[0], loop])
    dst = jnp.concatenate([edge_index[1], loop])
    # layer 1 (GCN backbone, drop_rate=0 at eval -> DropMessage is identity)
    h = _gcn_layer(x, W1, b1, src, dst, n)
    h = jax.nn.relu(h)
    # layer 2
    out = _gcn_layer(h, W2, b2, src, dst, n)
    return out

if __name__ == "__main__":
    import jax
    _d = setup_inputs()
    print(jax.jit(kernel)(*tuple(_d.values())))

</pallas_src>

<mosaic_0001>
#map = affine_map<(d0, d1) -> (0, 0)>
#map1 = affine_map<(d0, d1) -> (0, 0, 0, 0)>
#map2 = affine_map<(d0, d1) -> (0, 0, 0)>
module attributes {stable_mosaic.version = 14 : i64} {
  func.func @_agg_body(%arg0: i32, %arg1: i32, %arg2: memref<10000x64xf32, #tpu.memory_space<hbm>>, %arg3: memref<2x16x79x128xi32, #tpu.memory_space<hbm>>, %arg4: memref<2x16x79x128xi32, #tpu.memory_space<hbm>>, %arg5: memref<10240x64xf32, #tpu.memory_space<hbm>>, %arg6: memref<2x10240x64xf32, #tpu.memory_space<hbm>>, %arg7: memref<79x128xi32, #tpu.memory_space<vmem>>, %arg8: memref<79x128xi32, #tpu.memory_space<vmem>>, %arg9: memref<128x64xf32, #tpu.memory_space<vmem>>, %arg10: memref<128x64xf32, #tpu.memory_space<vmem>>, %arg11: memref<128x64xf32, #tpu.memory_space<vmem>>, %arg12: memref<128x64xf32, #tpu.memory_space<vmem>>, %arg13: memref<128x64xf32, #tpu.memory_space<vmem>>, %arg14: memref<128x64xf32, #tpu.memory_space<vmem>>, %arg15: memref<10240x64xf32, #tpu.memory_space<vmem_shared>>, %arg16: memref<!tpu.dma_semaphore, #tpu.memory_space<semaphore_mem>>, %arg17: memref<!tpu.dma_semaphore, #tpu.memory_space<semaphore_mem>>, %arg18: memref<!tpu.dma_semaphore, #tpu.memory_space<semaphore_mem>>, %arg19: memref<!tpu.dma_semaphore, #tpu.memory_space<semaphore_mem>>, %arg20: memref<!tpu.dma_semaphore, #tpu.memory_space<semaphore_mem>>, %arg21: memref<!tpu.dma_semaphore, #tpu.memory_space<semaphore_mem>>) attributes {dimension_semantics = [#tpu.dimension_semantics<core_parallel>, #tpu.dimension_semantics<subcore_parallel>], iteration_bounds = array<i64: 2, 16>, scalar_prefetch = 0 : i64, scratch_operands = 15 : i64, tpu.core_type = #tpu.core_type<sc_vector_subcore>, window_params = [{transform_indices = #map}, {transform_indices = #map1}, {transform_indices = #map1}, {transform_indices = #map}, {transform_indices = #map2}]} {
    %mul3A = arith.constant 640 : i32
    %mul3A_0 = arith.muli %arg1, %mul3A : i32
    "tpu.region"() ({
      %run_scoped3A = tpu.sem_alloc : memref<!tpu.dma_semaphore, #tpu.memory_space<semaphore_mem>>
      %dma_start3A_41 = arith.constant 0 : i32
      %dma_start3A_42 = tpu.memref_slice %arg15[%mul3A_0, %dma_start3A_41] : memref<10240x64xf32, #tpu.memory_space<vmem_shared>> -> memref<640x64xf32, #tpu.memory_space<vmem_shared>>
      %dma_start3A_43 = arith.constant 0 : i32
      %dma_start3A_44 = tpu.memref_slice %arg5[%mul3A_0, %dma_start3A_43] : memref<10240x64xf32, #tpu.memory_space<hbm>> -> memref<640x64xf32, #tpu.memory_space<hbm>>
      tpu.enqueue_dma source(%dma_start3A_44 : memref<640x64xf32, #tpu.memory_space<hbm>>) target(%dma_start3A_42 : memref<640x64xf32, #tpu.memory_space<vmem_shared>>) target_semaphore(%run_scoped3A : memref<!tpu.dma_semaphore, #tpu.memory_space<semaphore_mem>>)
      %dma_wait3A = arith.constant 0 : i32
      %dma_wait3A_45 = tpu.memref_slice %arg15[%mul3A_0, %dma_wait3A] : memref<10240x64xf32, #tpu.memory_space<vmem_shared>> -> memref<640x64xf32, #tpu.memory_space<vmem_shared>>
      %dma_wait3A_46 = arith.constant 0 : i32
      %dma_wait3A_47 = tpu.memref_slice %arg5[%mul3A_0, %dma_wait3A_46] : memref<10240x64xf32, #tpu.memory_space<hbm>> -> memref<640x64xf32, #tpu.memory_space<hbm>>
      tpu.wait_dma2 semaphore(%run_scoped3A : memref<!tpu.dma_semaphore, #tpu.memory_space<semaphore_mem>>) src(%dma_wait3A_47 : memref<640x64xf32, #tpu.memory_space<hbm>>) dst(%dma_wait3A_45 : memref<640x64xf32, #tpu.memory_space<vmem_shared>>)
      tpu.yield
    }) : () -> ()
    "tpu.region"() ({
      %run_scoped3A = tpu.sem_alloc : memref<!tpu.dma_semaphore, #tpu.memory_space<semaphore_mem>>
      %dma_start3A_41 = arith.constant 0 : i32
      %dma_start3A_42 = arith.constant 0 : i32
      %dma_start3A_43 = tpu.memref_slice %arg3[%arg0, %arg1, %dma_start3A_41, %dma_start3A_42] : memref<2x16x79x128xi32, #tpu.memory_space<hbm>> -> memref<1x1x79x128xi32, #tpu.memory_space<hbm>>
      %dma_start3A_44 = tpu.memref_squeeze %dma_start3A_43 : memref<1x1x79x128xi32, #tpu.memory_space<hbm>> -> memref<79x128xi32, #tpu.memory_space<hbm>>
      %dma_start3A_45 = arith.constant 0 : i32
      %dma_start3A_46 = arith.constant 0 : i32
      %dma_start3A_47 = tpu.memref_slice %arg3[%arg0, %arg1, %dma_start3A_45, %dma_start3A_46] : memref<2x16x79x128xi32, #tpu.memory_space<hbm>> -> memref<1x1x79x128xi32, #tpu.memory_space<hbm>>
      %dma_start3A_48 = tpu.memref_squeeze %dma_start3A_47 : memref<1x1x79x128xi32, #tpu.memory_space<hbm>> -> memref<79x128xi32, #tpu.memory_space<hbm>>
      tpu.enqueue_dma source(%dma_start3A_48 : memref<79x128xi32, #tpu.memory_space<hbm>>) target(%arg7 : memref<79x128xi32, #tpu.memory_space<vmem>>) target_semaphore(%run_scoped3A : memref<!tpu.dma_semaphore, #tpu.memory_space<semaphore_mem>>)
      %dma_wait3A = arith.constant 0 : i32
      %dma_wait3A_49 = arith.constant 0 : i32
      %dma_wait3A_50 = tpu.memref_slice %arg3[%arg0, %arg1, %dma_wait3A, %dma_wait3A_49] : memref<2x16x79x128xi32, #tpu.memory_space<hbm>> -> memref<1x1x79x128xi32, #tpu.memory_space<hbm>>
      %dma_wait3A_51 = tpu.memref_squeeze %dma_wait3A_50 : memref<1x1x79x128xi32, #tpu.memory_space<hbm>> -> memref<79x128xi32, #tpu.memory_space<hbm>>
      %dma_wait3A_52 = arith.constant 0 : i32
      %dma_wait3A_53 = arith.constant 0 : i32
      %dma_wait3A_54 = tpu.memref_slice %arg3[%arg0, %arg1, %dma_wait3A_52, %dma_wait3A_53] : memref<2x16x79x128xi32, #tpu.memory_space<hbm>> -> memref<1x1x79x128xi32, #tpu.memory_space<hbm>>
      %dma_wait3A_55 = tpu.memref_squeeze %dma_wait3A_54 : memref<1x1x79x128xi32, #tpu.memory_space<hbm>> -> memref<79x128xi32, #tpu.memory_space<hbm>>
      tpu.wait_dma2 semaphore(%run_scoped3A : memref<!tpu.dma_semaphore, #tpu.memory_space<semaphore_mem>>) src(%dma_wait3A_55 : memref<79x128xi32, #tpu.memory_space<hbm>>) dst(%arg7 : memref<79x128xi32, #tpu.memory_space<vmem>>)
      tpu.yield
    }) : () -> ()
    "tpu.region"() ({
      %run_scoped3A = tpu.sem_alloc : memref<!tpu.dma_semaphore, #tpu.memory_space<semaphore_mem>>
      %dma_start3A_41 = arith.constant 0 : i32
      %dma_start3A_42 = arith.constant 0 : i32
      %dma_start3A_43 = tpu.memref_slice %arg4[%arg0, %arg1, %dma_start3A_41, %dma_start3A_42] : memref<2x16x79x128xi32, #tpu.memory_space<hbm>> -> memref<1x1x79x128xi32, #tpu.memory_space<hbm>>
      %dma_start3A_44 = tpu.memref_squeeze %dma_start3A_43 : memref<1x1x79x128xi32, #tpu.memory_space<hbm>> -> memref<79x128xi32, #tpu.memory_space<hbm>>
      %dma_start3A_45 = arith.constant 0 : i32
      %dma_start3A_46 = arith.constant 0 : i32
      %dma_start3A_47 = tpu.memref_slice %arg4[%arg0, %arg1, %dma_start3A_45, %dma_start3A_46] : memref<2x16x79x128xi32, #tpu.memory_space<hbm>> -> memref<1x1x79x128xi32, #tpu.memory_space<hbm>>
      %dma_start3A_48 = tpu.memref_squeeze %dma_start3A_47 : memref<1x1x79x128xi32, #tpu.memory_space<hbm>> -> memref<79x128xi32, #tpu.memory_space<hbm>>
      tpu.enqueue_dma source(%dma_start3A_48 : memref<79x128xi32, #tpu.memory_space<hbm>>) target(%arg8 : memref<79x128xi32, #tpu.memory_space<vmem>>) target_semaphore(%run_scoped3A : memref<!tpu.dma_semaphore, #tpu.memory_space<semaphore_mem>>)
      %dma_wait3A = arith.constant 0 : i32
      %dma_wait3A_49 = arith.constant 0 : i32
      %dma_wait3A_50 = tpu.memref_slice %arg4[%arg0, %arg1, %dma_wait3A, %dma_wait3A_49] : memref<2x16x79x128xi32, #tpu.memory_space<hbm>> -> memref<1x1x79x128xi32, #tpu.memory_space<hbm>>
      %dma_wait3A_51 = tpu.memref_squeeze %dma_wait3A_50 : memref<1x1x79x128xi32, #tpu.memory_space<hbm>> -> memref<79x128xi32, #tpu.memory_space<hbm>>
      %dma_wait3A_52 = arith.constant 0 : i32
      %dma_wait3A_53 = arith.constant 0 : i32
      %dma_wait3A_54 = tpu.memref_slice %arg4[%arg0, %arg1, %dma_wait3A_52, %dma_wait3A_53] : memref<2x16x79x128xi32, #tpu.memory_space<hbm>> -> memref<1x1x79x128xi32, #tpu.memory_space<hbm>>
      %dma_wait3A_55 = tpu.memref_squeeze %dma_wait3A_54 : memref<1x1x79x128xi32, #tpu.memory_space<hbm>> -> memref<79x128xi32, #tpu.memory_space<hbm>>
      tpu.wait_dma2 semaphore(%run_scoped3A : memref<!tpu.dma_semaphore, #tpu.memory_space<semaphore_mem>>) src(%dma_wait3A_55 : memref<79x128xi32, #tpu.memory_space<hbm>>) dst(%arg8 : memref<79x128xi32, #tpu.memory_space<vmem>>)
      tpu.yield
    }) : () -> ()
    %barrier3A = arith.constant 0 : index
    tpu.barrier barrier_id(%barrier3A)
    %dma_start3A = arith.constant 0 : i32
    %dma_start3A_1 = arith.constant 0 : i32
    %dma_start3A_2 = tpu.memref_slice %arg7[%dma_start3A, %dma_start3A_1] : memref<79x128xi32, #tpu.memory_space<vmem>> -> memref<1x128xi32, #tpu.memory_space<vmem>>
    %dma_start3A_3 = tpu.memref_squeeze %dma_start3A_2 : memref<1x128xi32, #tpu.memory_space<vmem>> -> memref<128xi32, #tpu.memory_space<vmem>>
    %dma_start3A_4 = arith.constant 0 : i32
    %dma_start3A_5 = arith.constant 0 : i32
    %dma_start3A_6 = tpu.memref_slice %arg2[%dma_start3A_4, %dma_start3A_5] : memref<10000x64xf32, #tpu.memory_space<hbm>> -> memref<10000x64xf32, #tpu.memory_space<hbm>>
    tpu.enqueue_indirect_dma source(%dma_start3A_6 : memref<10000x64xf32, #tpu.memory_space<hbm>>) target(%arg9 : memref<128x64xf32, #tpu.memory_space<vmem>>) offsets(%dma_start3A_3 : memref<128xi32, #tpu.memory_space<vmem>>) semaphore(%arg16 : memref<!tpu.dma_semaphore, #tpu.memory_space<semaphore_mem>>)
    %dma_start3A_7 = arith.constant 1 : i32
    %dma_start3A_8 = arith.constant 0 : i32
    %dma_start3A_9 = tpu.memref_slice %arg7[%dma_start3A_7, %dma_start3A_8] : memref<79x128xi32, #tpu.memory_space<vmem>> -> memref<1x128xi32, #tpu.memory_space<vmem>>
    %dma_start3A_10 = tpu.memref_squeeze %dma_start3A_9 : memref<1x128xi32, #tpu.memory_space<vmem>> -> memref<128xi32, #tpu.memory_space<vmem>>
    %dma_start3A_11 = arith.constant 0 : i32
    %dma_start3A_12 = arith.constant 0 : i32
    %dma_start3A_13 = tpu.memref_slice %arg2[%dma_start3A_11, %dma_start3A_12] : memref<10000x64xf32, #tpu.memory_space<hbm>> -> memref<10000x64xf32, #tpu.memory_space<hbm>>
    tpu.enqueue_indirect_dma source(%dma_start3A_13 : memref<10000x64xf32, #tpu.memory_space<hbm>>) target(%arg10 : memref<128x64xf32, #tpu.memory_space<vmem>>) offsets(%dma_start3A_10 : memref<128xi32, #tpu.memory_space<vmem>>) semaphore(%arg17 : memref<!tpu.dma_semaphore, #tpu.memory_space<semaphore_mem>>)
    %dma_start3A_14 = arith.constant 2 : i32
    %dma_start3A_15 = arith.constant 0 : i32
    %dma_start3A_16 = tpu.memref_slice %arg7[%dma_start3A_14, %dma_start3A_15] : memref<79x128xi32, #tpu.memory_space<vmem>> -> memref<1x128xi32, #tpu.memory_space<vmem>>
    %dma_start3A_17 = tpu.memref_squeeze %dma_start3A_16 : memref<1x128xi32, #tpu.memory_space<vmem>> -> memref<128xi32, #tpu.memory_space<vmem>>
    %dma_start3A_18 = arith.constant 0 : i32
    %dma_start3A_19 = arith.constant 0 : i32
    %dma_start3A_20 = tpu.memref_slice %arg2[%dma_start3A_18, %dma_start3A_19] : memref<10000x64xf32, #tpu.memory_space<hbm>> -> memref<10000x64xf32, #tpu.memory_space<hbm>>
    tpu.enqueue_indirect_dma source(%dma_start3A_20 : memref<10000x64xf32, #tpu.memory_space<hbm>>) target(%arg11 : memref<128x64xf32, #tpu.memory_space<vmem>>) offsets(%dma_start3A_17 : memref<128xi32, #tpu.memory_space<vmem>>) semaphore(%arg18 : memref<!tpu.dma_semaphore, #tpu.memory_space<semaphore_mem>>)
    %dma_start3A_21 = arith.constant 3 : i32
    %dma_start3A_22 = arith.constant 0 : i32
    %dma_start3A_23 = tpu.memref_slice %arg7[%dma_start3A_21, %dma_start3A_22] : memref<79x128xi32, #tpu.memory_space<vmem>> -> memref<1x128xi32, #tpu.memory_space<vmem>>
    %dma_start3A_24 = tpu.memref_squeeze %dma_start3A_23 : memref<1x128xi32, #tpu.memory_space<vmem>> -> memref<128xi32, #tpu.memory_space<vmem>>
    %dma_start3A_25 = arith.constant 0 : i32
    %dma_start3A_26 = arith.constant 0 : i32
    %dma_start3A_27 = tpu.memref_slice %arg2[%dma_start3A_25, %dma_start3A_26] : memref<10000x64xf32, #tpu.memory_space<hbm>> -> memref<10000x64xf32, #tpu.memory_space<hbm>>
    tpu.enqueue_indirect_dma source(%dma_start3A_27 : memref<10000x64xf32, #tpu.memory_space<hbm>>) target(%arg12 : memref<128x64xf32, #tpu.memory_space<vmem>>) offsets(%dma_start3A_24 : memref<128xi32, #tpu.memory_space<vmem>>) semaphore(%arg19 : memref<!tpu.dma_semaphore, #tpu.memory_space<semaphore_mem>>)
    %dma_start3A_28 = arith.constant 4 : i32
    %dma_start3A_29 = arith.constant 0 : i32
    %dma_start3A_30 = tpu.memref_slice %arg7[%dma_start3A_28, %dma_start3A_29] : memref<79x128xi32, #tpu.memory_space<vmem>> -> memref<1x128xi32, #tpu.memory_space<vmem>>
    %dma_start3A_31 = tpu.memref_squeeze %dma_start3A_30 : memref<1x128xi32, #tpu.memory_space<vmem>> -> memref<128xi32, #tpu.memory_space<vmem>>
    %dma_start3A_32 = arith.constant 0 : i32
    %dma_start3A_33 = arith.constant 0 : i32
    %dma_start3A_34 = tpu.memref_slice %arg2[%dma_start3A_32, %dma_start3A_33] : memref<10000x64xf32, #tpu.memory_space<hbm>> -> memref<10000x64xf32, #tpu.memory_space<hbm>>
    tpu.enqueue_indirect_dma source(%dma_start3A_34 : memref<10000x64xf32, #tpu.memory_space<hbm>>) target(%arg13 : memref<128x64xf32, #tpu.memory_space<vmem>>) offsets(%dma_start3A_31 : memref<128xi32, #tpu.memory_space<vmem>>) semaphore(%arg20 : memref<!tpu.dma_semaphore, #tpu.memory_space<semaphore_mem>>)
    %scan3A = arith.constant 0 : i32
    %scan3A_35 = arith.constant 0 : i32
    %scan3A_36 = arith.constant 79 : i32
    %scan3A_37 = arith.addi %scan3A_35, %scan3A_36 : i32
    %scan3A_38 = arith.constant 1 : i32
    scf.for %scan3A_41 = %scan3A_35 to %scan3A_37 step %scan3A_38  : i32 {
      %jit3A = arith.constant 6 : i32
      %eq3A = arith.constant 0 : i32
      %eq3A_42 = arith.cmpi eq, %jit3A, %eq3A : i32
      %jit3A_43 = arith.constant 1 : i32
      %select_n3A = arith.select %eq3A_42, %jit3A_43, %jit3A : i32
      %rem3A = arith.remsi %scan3A_41, %select_n3A : i32
      %ne3A = arith.constant 0 : i32
      %ne3A_44 = arith.cmpi ne, %rem3A, %ne3A : i32
      %lt3A = arith.constant 0 : i32
      %lt3A_45 = arith.cmpi slt, %rem3A, %lt3A : i32
      %lt3A_46 = arith.constant 0 : i32
      %lt3A_47 = arith.cmpi slt, %select_n3A, %lt3A_46 : i32
      %ne3A_48 = arith.xori %lt3A_45, %lt3A_47 : i1
      %and3A = arith.andi %ne3A_48, %ne3A_44 : i1
      %add3A = arith.addi %rem3A, %select_n3A : i32
      %select_n3A_49 = arith.select %and3A, %add3A, %rem3A : i32
      %eq3A_50 = arith.constant 0 : i32
      %eq3A_51 = arith.cmpi eq, %select_n3A_49, %eq3A_50 : i32
      %convert_element_type3A = arith.extui %eq3A_51 : i1 to i32
      %cond3A = arith.constant 0 : i32
      %cond3A_52 = arith.cmpi ne, %convert_element_type3A, %cond3A : i32
      scf.if %cond3A_52 {
        %dma_wait3A = arith.constant 0 : i32
        %dma_wait3A_78 = tpu.memref_slice %arg7[%scan3A_41, %dma_wait3A] : memref<79x128xi32, #tpu.memory_space<vmem>> -> memref<1x128xi32, #tpu.memory_space<vmem>>
        %dma_wait3A_79 = tpu.memref_squeeze %dma_wait3A_78 : memref<1x128xi32, #tpu.memory_space<vmem>> -> memref<128xi32, #tpu.memory_space<vmem>>
        %dma_wait3A_80 = arith.constant 0 : i32
        %dma_wait3A_81 = arith.constant 0 : i32
        %dma_wait3A_82 = tpu.memref_slice %arg2[%dma_wait3A_80, %dma_wait3A_81] : memref<10000x64xf32, #tpu.memory_space<hbm>> -> memref<10000x64xf32, #tpu.memory_space<hbm>>
        tpu.wait_indirect_dma semaphore(%arg16 : memref<!tpu.dma_semaphore, #tpu.memory_space<semaphore_mem>>) src(%dma_wait3A_82 : memref<10000x64xf32, #tpu.memory_space<hbm>>) dst(%arg9 : memref<128x64xf32, #tpu.memory_space<vmem>>)
        %add3A_83 = arith.constant 6 : i32
        %add3A_84 = arith.addi %scan3A_41, %add3A_83 : i32
        %sub3A = arith.constant 1 : i32
        %sub3A_85 = arith.subi %add3A_84, %sub3A : i32
        %lt3A_86 = arith.constant 79 : i32
        %lt3A_87 = arith.cmpi slt, %sub3A_85, %lt3A_86 : i32
        %convert_element_type3A_88 = arith.extui %lt3A_87 : i1 to i32
        %cond3A_89 = arith.constant 0 : i32
        %cond3A_90 = arith.cmpi ne, %convert_element_type3A_88, %cond3A_89 : i32
        scf.if %cond3A_90 {
          %add3A_91 = arith.constant 6 : i32
          %add3A_92 = arith.addi %scan3A_41, %add3A_91 : i32
          %sub3A_93 = arith.constant 1 : i32
          %sub3A_94 = arith.subi %add3A_92, %sub3A_93 : i32
          %dma_start3A_95 = arith.constant 0 : i32
          %dma_start3A_96 = tpu.memref_slice %arg7[%sub3A_94, %dma_start3A_95] : memref<79x128xi32, #tpu.memory_space<vmem>> -> memref<1x128xi32, #tpu.memory_space<vmem>>
          %dma_start3A_97 = tpu.memref_squeeze %dma_start3A_96 : memref<1x128xi32, #tpu.memory_space<vmem>> -> memref<128xi32, #tpu.memory_space<vmem>>
          %dma_start3A_98 = arith.constant 0 : i32
          %dma_start3A_99 = arith.constant 0 : i32
          %dma_start3A_100 = tpu.memref_slice %arg2[%dma_start3A_98, %dma_start3A_99] : memref<10000x64xf32, #tpu.memory_space<hbm>> -> memref<10000x64xf32, #tpu.memory_space<hbm>>
          tpu.enqueue_indirect_dma source(%dma_start3A_100 : memref<10000x64xf32, #tpu.memory_space<hbm>>) target(%arg14 : memref<128x64xf32, #tpu.memory_space<vmem>>) offsets(%dma_start3A_97 : memref<128xi32, #tpu.memory_space<vmem>>) semaphore(%arg21 : memref<!tpu.dma_semaphore, #tpu.memory_space<semaphore_mem>>)
        } else {
        }
        "tpu.region"() ({
          %run_scoped3A = tpu.sem_alloc : memref<!tpu.dma_semaphore, #tpu.memory_space<semaphore_mem>>
          %dma_start3A_91 = arith.constant 0 : i32
          %dma_start3A_92 = tpu.memref_slice %arg8[%scan3A_41, %dma_start3A_91] : memref<79x128xi32, #tpu.memory_space<vmem>> -> memref<1x128xi32, #tpu.memory_space<vmem>>
          %dma_start3A_93 = tpu.memref_squeeze %dma_start3A_92 : memref<1x128xi32, #tpu.memory_space<vmem>> -> memref<128xi32, #tpu.memory_space<vmem>>
          %dma_start3A_94 = arith.constant 0 : i32
          %dma_start3A_95 = arith.constant 0 : i32
          %dma_start3A_96 = tpu.memref_slice %arg15[%dma_start3A_94, %dma_start3A_95] : memref<10240x64xf32, #tpu.memory_space<vmem_shared>> -> memref<10240x64xf32, #tpu.memory_space<vmem_shared>>
          tpu.enqueue_indirect_dma source(%arg9 : memref<128x64xf32, #tpu.memory_space<vmem>>) target(%dma_start3A_96 : memref<10240x64xf32, #tpu.memory_space<vmem_shared>>) offsets(%dma_start3A_93 : memref<128xi32, #tpu.memory_space<vmem>>) semaphore(%run_scoped3A : memref<!tpu.dma_semaphore, #tpu.memory_space<semaphore_mem>>) {add = true}
          %dma_wait3A_97 = arith.constant 0 : i32
          %dma_wait3A_98 = tpu.memref_slice %arg8[%scan3A_41, %dma_wait3A_97] : memref<79x128xi32, #tpu.memory_space<vmem>> -> memref<1x128xi32, #tpu.memory_space<vmem>>
          %dma_wait3A_99 = tpu.memref_squeeze %dma_wait3A_98 : memref<1x128xi32, #tpu.memory_space<vmem>> -> memref<128xi32, #tpu.memory_space<vmem>>
          %dma_wait3A_100 = arith.constant 0 : i32
          %dma_wait3A_101 = arith.constant 0 : i32
          %dma_wait3A_102 = tpu.memref_slice %arg15[%dma_wait3A_100, %dma_wait3A_101] : memref<10240x64xf32, #tpu.memory_space<vmem_shared>> -> memref<10240x64xf32, #tpu.memory_space<vmem_shared>>
          tpu.wait_indirect_dma semaphore(%run_scoped3A : memref<!tpu.dma_semaphore, #tpu.memory_space<semaphore_mem>>) src(%arg9 : memref<128x64xf32, #tpu.memory_space<vmem>>) dst(%dma_wait3A_102 : memref<10240x64xf32, #tpu.memory_space<vmem_shared>>)
          tpu.yield
        }) : () -> ()
      } else {
      }
      %eq3A_53 = arith.constant 1 : i32
      %eq3A_54 = arith.cmpi eq, %select_n3A_49, %eq3A_53 : i32
      %convert_element_type3A_55 = arith.extui %eq3A_54 : i1 to i32
      %cond3A_56 = arith.constant 0 : i32
      %cond3A_57 = arith.cmpi ne, %convert_element_type3A_55, %cond3A_56 : i32
      scf.if %cond3A_57 {
        %dma_wait3A = arith.constant 0 : i32
        %dma_wait3A_78 = tpu.memref_slice %arg7[%scan3A_41, %dma_wait3A] : memref<79x128xi32, #tpu.memory_space<vmem>> -> memref<1x128xi32, #tpu.memory_space<vmem>>
        %dma_wait3A_79 = tpu.memref_squeeze %dma_wait3A_78 : memref<1x128xi32, #tpu.memory_space<vmem>> -> memref<128xi32, #tpu.memory_space<vmem>>
        %dma_wait3A_80 = arith.constant 0 : i32
        %dma_wait3A_81 = arith.constant 0 : i32
        %dma_wait3A_82 = tpu.memref_slice %arg2[%dma_wait3A_80, %dma_wait3A_81] : memref<10000x64xf32, #tpu.memory_space<hbm>> -> memref<10000x64xf32, #tpu.memory_space<hbm>>
        tpu.wait_indirect_dma semaphore(%arg17 : memref<!tpu.dma_semaphore, #tpu.memory_space<semaphore_mem>>) src(%dma_wait3A_82 : memref<10000x64xf32, #tpu.memory_space<hbm>>) dst(%arg10 : memref<128x64xf32, #tpu.memory_space<vmem>>)
        %add3A_83 = arith.constant 6 : i32
        %add3A_84 = arith.addi %scan3A_41, %add3A_83 : i32
        %sub3A = arith.constant 1 : i32
        %sub3A_85 = arith.subi %add3A_84, %sub3A : i32
        %lt3A_86 = arith.constant 79 : i32
        %lt3A_87 = arith.cmpi slt, %sub3A_85, %lt3A_86 : i32
        %convert_element_type3A_88 = arith.extui %lt3A_87 : i1 to i32
        %cond3A_89 = arith.constant 0 : i32
        %cond3A_90 = arith.cmpi ne, %convert_element_type3A_88, %cond3A_89 : i32
        scf.if %cond3A_90 {
          %add3A_91 = arith.constant 6 : i32
          %add3A_92 = arith.addi %scan3A_41, %add3A_91 : i32
          %sub3A_93 = arith.constant 1 : i32
          %sub3A_94 = arith.subi %add3A_92, %sub3A_93 : i32
          %dma_start3A_95 = arith.constant 0 : i32
          %dma_start3A_96 = tpu.memref_slice %arg7[%sub3A_94, %dma_start3A_95] : memref<79x128xi32, #tpu.memory_space<vmem>> -> memref<1x128xi32, #tpu.memory_space<vmem>>
          %dma_start3A_97 = tpu.memref_squeeze %dma_start3A_96 : memref<1x128xi32, #tpu.memory_space<vmem>> -> memref<128xi32, #tpu.memory_space<vmem>>
          %dma_start3A_98 = arith.constant 0 : i32
          %dma_start3A_99 = arith.constant 0 : i32
          %dma_start3A_100 = tpu.memref_slice %arg2[%dma_start3A_98, %dma_start3A_99] : memref<10000x64xf32, #tpu.memory_space<hbm>> -> memref<10000x64xf32, #tpu.memory_space<hbm>>
          tpu.enqueue_indirect_dma source(%dma_start3A_100 : memref<10000x64xf32, #tpu.memory_space<hbm>>) target(%arg9 : memref<128x64xf32, #tpu.memory_space<vmem>>) offsets(%dma_start3A_97 : memref<128xi32, #tpu.memory_space<vmem>>) semaphore(%arg16 : memref<!tpu.dma_semaphore, #tpu.memory_space<semaphore_mem>>)
        } else {
        }
        "tpu.region"() ({
          %run_scoped3A = tpu.sem_alloc : memref<!tpu.dma_semaphore, #tpu.memory_space<semaphore_mem>>
          %dma_start3A_91 = arith.constant 0 : i32
          %dma_start3A_92 = tpu.memref_slice %arg8[%scan3A_41, %dma_start3A_91] : memref<79x128xi32, #tpu.memory_space<vmem>> -> memref<1x128xi32, #tpu.memory_space<vmem>>
          %dma_start3A_93 = tpu.memref_squeeze %dma_start3A_92 : memref<1x128xi32, #tpu.memory_space<vmem>> -> memref<128xi32, #tpu.memory_space<vmem>>
          %dma_start3A_94 = arith.constant 0 : i32
          %dma_start3A_95 = arith.constant 0 : i32
          %dma_start3A_96 = tpu.memref_slice %arg15[%dma_start3A_94, %dma_start3A_95] : memref<10240x64xf32, #tpu.memory_space<vmem_shared>> -> memref<10240x64xf32, #tpu.memory_space<vmem_shared>>
          tpu.enqueue_indirect_dma source(%arg10 : memref<128x64xf32, #tpu.memory_space<vmem>>) target(%dma_start3A_96 : memref<10240x64xf32, #tpu.memory_space<vmem_shared>>) offsets(%dma_start3A_93 : memref<128xi32, #tpu.memory_space<vmem>>) semaphore(%run_scoped3A : memref<!tpu.dma_semaphore, #tpu.memory_space<semaphore_mem>>) {add = true}
          %dma_wait3A_97 = arith.constant 0 : i32
          %dma_wait3A_98 = tpu.memref_slice %arg8[%scan3A_41, %dma_wait3A_97] : memref<79x128xi32, #tpu.memory_space<vmem>> -> memref<1x128xi32, #tpu.memory_space<vmem>>
          %dma_wait3A_99 = tpu.memref_squeeze %dma_wait3A_98 : memref<1x128xi32, #tpu.memory_space<vmem>> -> memref<128xi32, #tpu.memory_space<vmem>>
          %dma_wait3A_100 = arith.constant 0 : i32
          %dma_wait3A_101 = arith.constant 0 : i32
          %dma_wait3A_102 = tpu.memref_slice %arg15[%dma_wait3A_100, %dma_wait3A_101] : memref<10240x64xf32, #tpu.memory_space<vmem_shared>> -> memref<10240x64xf32, #tpu.memory_space<vmem_shared>>
          tpu.wait_indirect_dma semaphore(%run_scoped3A : memref<!tpu.dma_semaphore, #tpu.memory_space<semaphore_mem>>) src(%arg10 : memref<128x64xf32, #tpu.memory_space<vmem>>) dst(%dma_wait3A_102 : memref<10240x64xf32, #tpu.memory_space<vmem_shared>>)
          tpu.yield
        }) : () -> ()
      } else {
      }
      %eq3A_58 = arith.constant 2 : i32
      %eq3A_59 = arith.cmpi eq, %select_n3A_49, %eq3A_58 : i32
      %convert_element_type3A_60 = arith.extui %eq3A_59 : i1 to i32
      %cond3A_61 = arith.constant 0 : i32
      %cond3A_62 = arith.cmpi ne, %convert_element_type3A_60, %cond3A_61 : i32
      scf.if %cond3A_62 {
        %dma_wait3A = arith.constant 0 : i32
        %dma_wait3A_78 = tpu.memref_slice %arg7[%scan3A_41, %dma_wait3A] : memref<79x128xi32, #tpu.memory_space<vmem>> -> memref<1x128xi32, #tpu.memory_space<vmem>>
        %dma_wait3A_79 = tpu.memref_squeeze %dma_wait3A_78 : memref<1x128xi32, #tpu.memory_space<vmem>> -> memref<128xi32, #tpu.memory_space<vmem>>
        %dma_wait3A_80 = arith.constant 0 : i32
        %dma_wait3A_81 = arith.constant 0 : i32
        %dma_wait3A_82 = tpu.memref_slice %arg2[%dma_wait3A_80, %dma_wait3A_81] : memref<10000x64xf32, #tpu.memory_space<hbm>> -> memref<10000x64xf32, #tpu.memory_space<hbm>>
        tpu.wait_indirect_dma semaphore(%arg18 : memref<!tpu.dma_semaphore, #tpu.memory_space<semaphore_mem>>) src(%dma_wait3A_82 : memref<10000x64xf32, #tpu.memory_space<hbm>>) dst(%arg11 : memref<128x64xf32, #tpu.memory_space<vmem>>)
        %add3A_83 = arith.constant 6 : i32
        %add3A_84 = arith.addi %scan3A_41, %add3A_83 : i32
        %sub3A = arith.constant 1 : i32
        %sub3A_85 = arith.subi %add3A_84, %sub3A : i32
        %lt3A_86 = arith.constant 79 : i32
        %lt3A_87 = arith.cmpi slt, %sub3A_85, %lt3A_86 : i32
        %convert_element_type3A_88 = arith.extui %lt3A_87 : i1 to i32
        %cond3A_89 = arith.constant 0 : i32
        %cond3A_90 = arith.cmpi ne, %convert_element_type3A_88, %cond3A_89 : i32
        scf.if %cond3A_90 {
          %add3A_91 = arith.constant 6 : i32
          %add3A_92 = arith.addi %scan3A_41, %add3A_91 : i32
          %sub3A_93 = arith.constant 1 : i32
          %sub3A_94 = arith.subi %add3A_92, %sub3A_93 : i32
          %dma_start3A_95 = arith.constant 0 : i32
          %dma_start3A_96 = tpu.memref_slice %arg7[%sub3A_94, %dma_start3A_95] : memref<79x128xi32, #tpu.memory_space<vmem>> -> memref<1x128xi32, #tpu.memory_space<vmem>>
          %dma_start3A_97 = tpu.memref_squeeze %dma_start3A_96 : memref<1x128xi32, #tpu.memory_space<vmem>> -> memref<128xi32, #tpu.memory_space<vmem>>
          %dma_start3A_98 = arith.constant 0 : i32
          %dma_start3A_99 = arith.constant 0 : i32
          %dma_start3A_100 = tpu.memref_slice %arg2[%dma_start3A_98, %dma_start3A_99] : memref<10000x64xf32, #tpu.memory_space<hbm>> -> memref<10000x64xf32, #tpu.memory_space<hbm>>
          tpu.enqueue_indirect_dma source(%dma_start3A_100 : memref<10000x64xf32, #tpu.memory_space<hbm>>) target(%arg10 : memref<128x64xf32, #tpu.memory_space<vmem>>) offsets(%dma_start3A_97 : memref<128xi32, #tpu.memory_space<vmem>>) semaphore(%arg17 : memref<!tpu.dma_semaphore, #tpu.memory_space<semaphore_mem>>)
        } else {
        }
        "tpu.region"() ({
          %run_scoped3A = tpu.sem_alloc : memref<!tpu.dma_semaphore, #tpu.memory_space<semaphore_mem>>
          %dma_start3A_91 = arith.constant 0 : i32
          %dma_start3A_92 = tpu.memref_slice %arg8[%scan3A_41, %dma_start3A_91] : memref<79x128xi32, #tpu.memory_space<vmem>> -> memref<1x128xi32, #tpu.memory_space<vmem>>
          %dma_start3A_93 = tpu.memref_squeeze %dma_start3A_92 : memref<1x128xi32, #tpu.memory_space<vmem>> -> memref<128xi32, #tpu.memory_space<vmem>>
          %dma_start3A_94 = arith.constant 0 : i32
          %dma_start3A_95 = arith.constant 0 : i32
          %dma_start3A_96 = tpu.memref_slice %arg15[%dma_start3A_94, %dma_start3A_95] : memref<10240x64xf32, #tpu.memory_space<vmem_shared>> -> memref<10240x64xf32, #tpu.memory_space<vmem_shared>>
          tpu.enqueue_indirect_dma source(%arg11 : memref<128x64xf32, #tpu.memory_space<vmem>>) target(%dma_start3A_96 : memref<10240x64xf32, #tpu.memory_space<vmem_shared>>) offsets(%dma_start3A_93 : memref<128xi32, #tpu.memory_space<vmem>>) semaphore(%run_scoped3A : memref<!tpu.dma_semaphore, #tpu.memory_space<semaphore_mem>>) {add = true}
          %dma_wait3A_97 = arith.constant 0 : i32
          %dma_wait3A_98 = tpu.memref_slice %arg8[%scan3A_41, %dma_wait3A_97] : memref<79x128xi32, #tpu.memory_space<vmem>> -> memref<1x128xi32, #tpu.memory_space<vmem>>
          %dma_wait3A_99 = tpu.memref_squeeze %dma_wait3A_98 : memref<1x128xi32, #tpu.memory_space<vmem>> -> memref<128xi32, #tpu.memory_space<vmem>>
          %dma_wait3A_100 = arith.constant 0 : i32
          %dma_wait3A_101 = arith.constant 0 : i32
          %dma_wait3A_102 = tpu.memref_slice %arg15[%dma_wait3A_100, %dma_wait3A_101] : memref<10240x64xf32, #tpu.memory_space<vmem_shared>> -> memref<10240x64xf32, #tpu.memory_space<vmem_shared>>
          tpu.wait_indirect_dma semaphore(%run_scoped3A : memref<!tpu.dma_semaphore, #tpu.memory_space<semaphore_mem>>) src(%arg11 : memref<128x64xf32, #tpu.memory_space<vmem>>) dst(%dma_wait3A_102 : memref<10240x64xf32, #tpu.memory_space<vmem_shared>>)
          tpu.yield
        }) : () -> ()
      } else {
      }
      %eq3A_63 = arith.constant 3 : i32
      %eq3A_64 = arith.cmpi eq, %select_n3A_49, %eq3A_63 : i32
      %convert_element_type3A_65 = arith.extui %eq3A_64 : i1 to i32
      %cond3A_66 = arith.constant 0 : i32
      %cond3A_67 = arith.cmpi ne, %convert_element_type3A_65, %cond3A_66 : i32
      scf.if %cond3A_67 {
        %dma_wait3A = arith.constant 0 : i32
        %dma_wait3A_78 = tpu.memref_slice %arg7[%scan3A_41, %dma_wait3A] : memref<79x128xi32, #tpu.memory_space<vmem>> -> memref<1x128xi32, #tpu.memory_space<vmem>>
        %dma_wait3A_79 = tpu.memref_squeeze %dma_wait3A_78 : memref<1x128xi32, #tpu.memory_space<vmem>> -> memref<128xi32, #tpu.memory_space<vmem>>
        %dma_wait3A_80 = arith.constant 0 : i32
        %dma_wait3A_81 = arith.constant 0 : i32
        %dma_wait3A_82 = tpu.memref_slice %arg2[%dma_wait3A_80, %dma_wait3A_81] : memref<10000x64xf32, #tpu.memory_space<hbm>> -> memref<10000x64xf32, #tpu.memory_space<hbm>>
        tpu.wait_indirect_dma semaphore(%arg19 : memref<!tpu.dma_semaphore, #tpu.memory_space<semaphore_mem>>) src(%dma_wait3A_82 : memref<10000x64xf32, #tpu.memory_space<hbm>>) dst(%arg12 : memref<128x64xf32, #tpu.memory_space<vmem>>)
        %add3A_83 = arith.constant 6 : i32
        %add3A_84 = arith.addi %scan3A_41, %add3A_83 : i32
        %sub3A = arith.constant 1 : i32
        %sub3A_85 = arith.subi %add3A_84, %sub3A : i32
        %lt3A_86 = arith.constant 79 : i32
        %lt3A_87 = arith.cmpi slt, %sub3A_85, %lt3A_86 : i32
        %convert_element_type3A_88 = arith.extui %lt3A_87 : i1 to i32
        %cond3A_89 = arith.constant 0 : i32
        %cond3A_90 = arith.cmpi ne, %convert_element_type3A_88, %cond3A_89 : i32
        scf.if %cond3A_90 {
          %add3A_91 = arith.constant 6 : i32
          %add3A_92 = arith.addi %scan3A_41, %add3A_91 : i32
          %sub3A_93 = arith.constant 1 : i32
          %sub3A_94 = arith.subi %add3A_92, %sub3A_93 : i32
          %dma_start3A_95 = arith.constant 0 : i32
          %dma_start3A_96 = tpu.memref_slice %arg7[%sub3A_94, %dma_start3A_95] : memref<79x128xi32, #tpu.memory_space<vmem>> -> memref<1x128xi32, #tpu.memory_space<vmem>>
          %dma_start3A_97 = tpu.memref_squeeze %dma_start3A_96 : memref<1x128xi32, #tpu.memory_space<vmem>> -> memref<128xi32, #tpu.memory_space<vmem>>
          %dma_start3A_98 = arith.constant 0 : i32
          %dma_start3A_99 = arith.constant 0 : i32
          %dma_start3A_100 = tpu.memref_slice %arg2[%dma_start3A_98, %dma_start3A_99] : memref<10000x64xf32, #tpu.memory_space<hbm>> -> memref<10000x64xf32, #tpu.memory_space<hbm>>
          tpu.enqueue_indirect_dma source(%dma_start3A_100 : memref<10000x64xf32, #tpu.memory_space<hbm>>) target(%arg11 : memref<128x64xf32, #tpu.memory_space<vmem>>) offsets(%dma_start3A_97 : memref<128xi32, #tpu.memory_space<vmem>>) semaphore(%arg18 : memref<!tpu.dma_semaphore, #tpu.memory_space<semaphore_mem>>)
        } else {
        }
        "tpu.region"() ({
          %run_scoped3A = tpu.sem_alloc : memref<!tpu.dma_semaphore, #tpu.memory_space<semaphore_mem>>
          %dma_start3A_91 = arith.constant 0 : i32
          %dma_start3A_92 = tpu.memref_slice %arg8[%scan3A_41, %dma_start3A_91] : memref<79x128xi32, #tpu.memory_space<vmem>> -> memref<1x128xi32, #tpu.memory_space<vmem>>
          %dma_start3A_93 = tpu.memref_squeeze %dma_start3A_92 : memref<1x128xi32, #tpu.memory_space<vmem>> -> memref<128xi32, #tpu.memory_space<vmem>>
          %dma_start3A_94 = arith.constant 0 : i32
          %dma_start3A_95 = arith.constant 0 : i32
          %dma_start3A_96 = tpu.memref_slice %arg15[%dma_start3A_94, %dma_start3A_95] : memref<10240x64xf32, #tpu.memory_space<vmem_shared>> -> memref<10240x64xf32, #tpu.memory_space<vmem_shared>>
          tpu.enqueue_indirect_dma source(%arg12 : memref<128x64xf32, #tpu.memory_space<vmem>>) target(%dma_start3A_96 : memref<10240x64xf32, #tpu.memory_space<vmem_shared>>) offsets(%dma_start3A_93 : memref<128xi32, #tpu.memory_space<vmem>>) semaphore(%run_scoped3A : memref<!tpu.dma_semaphore, #tpu.memory_space<semaphore_mem>>) {add = true}
          %dma_wait3A_97 = arith.constant 0 : i32
          %dma_wait3A_98 = tpu.memref_slice %arg8[%scan3A_41, %dma_wait3A_97] : memref<79x128xi32, #tpu.memory_space<vmem>> -> memref<1x128xi32, #tpu.memory_space<vmem>>
          %dma_wait3A_99 = tpu.memref_squeeze %dma_wait3A_98 : memref<1x128xi32, #tpu.memory_space<vmem>> -> memref<128xi32, #tpu.memory_space<vmem>>
          %dma_wait3A_100 = arith.constant 0 : i32
          %dma_wait3A_101 = arith.constant 0 : i32
          %dma_wait3A_102 = tpu.memref_slice %arg15[%dma_wait3A_100, %dma_wait3A_101] : memref<10240x64xf32, #tpu.memory_space<vmem_shared>> -> memref<10240x64xf32, #tpu.memory_space<vmem_shared>>
          tpu.wait_indirect_dma semaphore(%run_scoped3A : memref<!tpu.dma_semaphore, #tpu.memory_space<semaphore_mem>>) src(%arg12 : memref<128x64xf32, #tpu.memory_space<vmem>>) dst(%dma_wait3A_102 : memref<10240x64xf32, #tpu.memory_space<vmem_shared>>)
          tpu.yield
        }) : () -> ()
      } else {
      }
      %eq3A_68 = arith.constant 4 : i32
      %eq3A_69 = arith.cmpi eq, %select_n3A_49, %eq3A_68 : i32
      %convert_element_type3A_70 = arith.extui %eq3A_69 : i1 to i32
      %cond3A_71 = arith.constant 0 : i32
      %cond3A_72 = arith.cmpi ne, %convert_element_type3A_70, %cond3A_71 : i32
      scf.if %cond3A_72 {
        %dma_wait3A = arith.constant 0 : i32
        %dma_wait3A_78 = tpu.memref_slice %arg7[%scan3A_41, %dma_wait3A] : memref<79x128xi32, #tpu.memory_space<vmem>> -> memref<1x128xi32, #tpu.memory_space<vmem>>
        %dma_wait3A_79 = tpu.memref_squeeze %dma_wait3A_78 : memref<1x128xi32, #tpu.memory_space<vmem>> -> memref<128xi32, #tpu.memory_space<vmem>>
        %dma_wait3A_80 = arith.constant 0 : i32
        %dma_wait3A_81 = arith.constant 0 : i32
        %dma_wait3A_82 = tpu.memref_slice %arg2[%dma_wait3A_80, %dma_wait3A_81] : memref<10000x64xf32, #tpu.memory_space<hbm>> -> memref<10000x64xf32, #tpu.memory_space<hbm>>
        tpu.wait_indirect_dma semaphore(%arg20 : memref<!tpu.dma_semaphore, #tpu.memory_space<semaphore_mem>>) src(%dma_wait3A_82 : memref<10000x64xf32, #tpu.memory_space<hbm>>) dst(%arg13 : memref<128x64xf32, #tpu.memory_space<vmem>>)
        %add3A_83 = arith.constant 6 : i32
        %add3A_84 = arith.addi %scan3A_41, %add3A_83 : i32
        %sub3A = arith.constant 1 : i32
        %sub3A_85 = arith.subi %add3A_84, %sub3A : i32
        %lt3A_86 = arith.constant 79 : i32
        %lt3A_87 = arith.cmpi slt, %sub3A_85, %lt3A_86 : i32
        %convert_element_type3A_88 = arith.extui %lt3A_87 : i1 to i32
        %cond3A_89 = arith.constant 0 : i32
        %cond3A_90 = arith.cmpi ne, %convert_element_type3A_88, %cond3A_89 : i32
        scf.if %cond3A_90 {
          %add3A_91 = arith.constant 6 : i32
          %add3A_92 = arith.addi %scan3A_41, %add3A_91 : i32
          %sub3A_93 = arith.constant 1 : i32
          %sub3A_94 = arith.subi %add3A_92, %sub3A_93 : i32
          %dma_start3A_95 = arith.constant 0 : i32
          %dma_start3A_96 = tpu.memref_slice %arg7[%sub3A_94, %dma_start3A_95] : memref<79x128xi32, #tpu.memory_space<vmem>> -> memref<1x128xi32, #tpu.memory_space<vmem>>
          %dma_start3A_97 = tpu.memref_squeeze %dma_start3A_96 : memref<1x128xi32, #tpu.memory_space<vmem>> -> memref<128xi32, #tpu.memory_space<vmem>>
          %dma_start3A_98 = arith.constant 0 : i32
          %dma_start3A_99 = arith.constant 0 : i32
          %dma_start3A_100 = tpu.memref_slice %arg2[%dma_start3A_98, %dma_start3A_99] : memref<10000x64xf32, #tpu.memory_space<hbm>> -> memref<10000x64xf32, #tpu.memory_space<hbm>>
          tpu.enqueue_indirect_dma source(%dma_start3A_100 : memref<10000x64xf32, #tpu.memory_space<hbm>>) target(%arg12 : memref<128x64xf32, #tpu.memory_space<vmem>>) offsets(%dma_start3A_97 : memref<128xi32, #tpu.memory_space<vmem>>) semaphore(%arg19 : memref<!tpu.dma_semaphore, #tpu.memory_space<semaphore_mem>>)
        } else {
        }
        "tpu.region"() ({
          %run_scoped3A = tpu.sem_alloc : memref<!tpu.dma_semaphore, #tpu.memory_space<semaphore_mem>>
          %dma_start3A_91 = arith.constant 0 : i32
          %dma_start3A_92 = tpu.memref_slice %arg8[%scan3A_41, %dma_start3A_91] : memref<79x128xi32, #tpu.memory_space<vmem>> -> memref<1x128xi32, #tpu.memory_space<vmem>>
          %dma_start3A_93 = tpu.memref_squeeze %dma_start3A_92 : memref<1x128xi32, #tpu.memory_space<vmem>> -> memref<128xi32, #tpu.memory_space<vmem>>
          %dma_start3A_94 = arith.constant 0 : i32
          %dma_start3A_95 = arith.constant 0 : i32
          %dma_start3A_96 = tpu.memref_slice %arg15[%dma_start3A_94, %dma_start3A_95] : memref<10240x64xf32, #tpu.memory_space<vmem_shared>> -> memref<10240x64xf32, #tpu.memory_space<vmem_shared>>
          tpu.enqueue_indirect_dma source(%arg13 : memref<128x64xf32, #tpu.memory_space<vmem>>) target(%dma_start3A_96 : memref<10240x64xf32, #tpu.memory_space<vmem_shared>>) offsets(%dma_start3A_93 : memref<128xi32, #tpu.memory_space<vmem>>) semaphore(%run_scoped3A : memref<!tpu.dma_semaphore, #tpu.memory_space<semaphore_mem>>) {add = true}
          %dma_wait3A_97 = arith.constant 0 : i32
          %dma_wait3A_98 = tpu.memref_slice %arg8[%scan3A_41, %dma_wait3A_97] : memref<79x128xi32, #tpu.memory_space<vmem>> -> memref<1x128xi32, #tpu.memory_space<vmem>>
          %dma_wait3A_99 = tpu.memref_squeeze %dma_wait3A_98 : memref<1x128xi32, #tpu.memory_space<vmem>> -> memref<128xi32, #tpu.memory_space<vmem>>
          %dma_wait3A_100 = arith.constant 0 : i32
          %dma_wait3A_101 = arith.constant 0 : i32
          %dma_wait3A_102 = tpu.memref_slice %arg15[%dma_wait3A_100, %dma_wait3A_101] : memref<10240x64xf32, #tpu.memory_space<vmem_shared>> -> memref<10240x64xf32, #tpu.memory_space<vmem_shared>>
          tpu.wait_indirect_dma semaphore(%run_scoped3A : memref<!tpu.dma_semaphore, #tpu.memory_space<semaphore_mem>>) src(%arg13 : memref<128x64xf32, #tpu.memory_space<vmem>>) dst(%dma_wait3A_102 : memref<10240x64xf32, #tpu.memory_space<vmem_shared>>)
          tpu.yield
        }) : () -> ()
      } else {
      }
      %eq3A_73 = arith.constant 5 : i32
      %eq3A_74 = arith.cmpi eq, %select_n3A_49, %eq3A_73 : i32
      %convert_element_type3A_75 = arith.extui %eq3A_74 : i1 to i32
      %cond3A_76 = arith.constant 0 : i32
      %cond3A_77 = arith.cmpi ne, %convert_element_type3A_75, %cond3A_76 : i32
      scf.if %cond3A_77 {
        %dma_wait3A = arith.constant 0 : i32
        %dma_wait3A_78 = tpu.memref_slice %arg7[%scan3A_41, %dma_wait3A] : memref<79x128xi32, #tpu.memory_space<vmem>> -> memref<1x128xi32, #tpu.memory_space<vmem>>
        %dma_wait3A_79 = tpu.memref_squeeze %dma_wait3A_78 : memref<1x128xi32, #tpu.memory_space<vmem>> -> memref<128xi32, #tpu.memory_space<vmem>>
        %dma_wait3A_80 = arith.constant 0 : i32
        %dma_wait3A_81 = arith.constant 0 : i32
        %dma_wait3A_82 = tpu.memref_slice %arg2[%dma_wait3A_80, %dma_wait3A_81] : memref<10000x64xf32, #tpu.memory_space<hbm>> -> memref<10000x64xf32, #tpu.memory_space<hbm>>
        tpu.wait_indirect_dma semaphore(%arg21 : memref<!tpu.dma_semaphore, #tpu.memory_space<semaphore_mem>>) src(%dma_wait3A_82 : memref<10000x64xf32, #tpu.memory_space<hbm>>) dst(%arg14 : memref<128x64xf32, #tpu.memory_space<vmem>>)
        %add3A_83 = arith.constant 6 : i32
        %add3A_84 = arith.addi %scan3A_41, %add3A_83 : i32
        %sub3A = arith.constant 1 : i32
        %sub3A_85 = arith.subi %add3A_84, %sub3A : i32
        %lt3A_86 = arith.constant 79 : i32
        %lt3A_87 = arith.cmpi slt, %sub3A_85, %lt3A_86 : i32
        %convert_element_type3A_88 = arith.extui %lt3A_87 : i1 to i32
        %cond3A_89 = arith.constant 0 : i32
        %cond3A_90 = arith.cmpi ne, %convert_element_type3A_88, %cond3A_89 : i32
        scf.if %cond3A_90 {
          %add3A_91 = arith.constant 6 : i32
          %add3A_92 = arith.addi %scan3A_41, %add3A_91 : i32
          %sub3A_93 = arith.constant 1 : i32
          %sub3A_94 = arith.subi %add3A_92, %sub3A_93 : i32
          %dma_start3A_95 = arith.constant 0 : i32
          %dma_start3A_96 = tpu.memref_slice %arg7[%sub3A_94, %dma_start3A_95] : memref<79x128xi32, #tpu.memory_space<vmem>> -> memref<1x128xi32, #tpu.memory_space<vmem>>
          %dma_start3A_97 = tpu.memref_squeeze %dma_start3A_96 : memref<1x128xi32, #tpu.memory_space<vmem>> -> memref<128xi32, #tpu.memory_space<vmem>>
          %dma_start3A_98 = arith.constant 0 : i32
          %dma_start3A_99 = arith.constant 0 : i32
          %dma_start3A_100 = tpu.memref_slice %arg2[%dma_start3A_98, %dma_start3A_99] : memref<10000x64xf32, #tpu.memory_space<hbm>> -> memref<10000x64xf32, #tpu.memory_space<hbm>>
          tpu.enqueue_indirect_dma source(%dma_start3A_100 : memref<10000x64xf32, #tpu.memory_space<hbm>>) target(%arg13 : memref<128x64xf32, #tpu.memory_space<vmem>>) offsets(%dma_start3A_97 : memref<128xi32, #tpu.memory_space<vmem>>) semaphore(%arg20 : memref<!tpu.dma_semaphore, #tpu.memory_space<semaphore_mem>>)
        } else {
        }
        "tpu.region"() ({
          %run_scoped3A = tpu.sem_alloc : memref<!tpu.dma_semaphore, #tpu.memory_space<semaphore_mem>>
          %dma_start3A_91 = arith.constant 0 : i32
          %dma_start3A_92 = tpu.memref_slice %arg8[%scan3A_41, %dma_start3A_91] : memref<79x128xi32, #tpu.memory_space<vmem>> -> memref<1x128xi32, #tpu.memory_space<vmem>>
          %dma_start3A_93 = tpu.memref_squeeze %dma_start3A_92 : memref<1x128xi32, #tpu.memory_space<vmem>> -> memref<128xi32, #tpu.memory_space<vmem>>
          %dma_start3A_94 = arith.constant 0 : i32
          %dma_start3A_95 = arith.constant 0 : i32
          %dma_start3A_96 = tpu.memref_slice %arg15[%dma_start3A_94, %dma_start3A_95] : memref<10240x64xf32, #tpu.memory_space<vmem_shared>> -> memref<10240x64xf32, #tpu.memory_space<vmem_shared>>
          tpu.enqueue_indirect_dma source(%arg14 : memref<128x64xf32, #tpu.memory_space<vmem>>) target(%dma_start3A_96 : memref<10240x64xf32, #tpu.memory_space<vmem_shared>>) offsets(%dma_start3A_93 : memref<128xi32, #tpu.memory_space<vmem>>) semaphore(%run_scoped3A : memref<!tpu.dma_semaphore, #tpu.memory_space<semaphore_mem>>) {add = true}
          %dma_wait3A_97 = arith.constant 0 : i32
          %dma_wait3A_98 = tpu.memref_slice %arg8[%scan3A_41, %dma_wait3A_97] : memref<79x128xi32, #tpu.memory_space<vmem>> -> memref<1x128xi32, #tpu.memory_space<vmem>>
          %dma_wait3A_99 = tpu.memref_squeeze %dma_wait3A_98 : memref<1x128xi32, #tpu.memory_space<vmem>> -> memref<128xi32, #tpu.memory_space<vmem>>
          %dma_wait3A_100 = arith.constant 0 : i32
          %dma_wait3A_101 = arith.constant 0 : i32
          %dma_wait3A_102 = tpu.memref_slice %arg15[%dma_wait3A_100, %dma_wait3A_101] : memref<10240x64xf32, #tpu.memory_space<vmem_shared>> -> memref<10240x64xf32, #tpu.memory_space<vmem_shared>>
          tpu.wait_indirect_dma semaphore(%run_scoped3A : memref<!tpu.dma_semaphore, #tpu.memory_space<semaphore_mem>>) src(%arg14 : memref<128x64xf32, #tpu.memory_space<vmem>>) dst(%dma_wait3A_102 : memref<10240x64xf32, #tpu.memory_space<vmem_shared>>)
          tpu.yield
        }) : () -> ()
      } else {
      }
    }
    %scan3A_39 = arith.constant 79 : i32
    %barrier3A_40 = arith.constant 0 : index
    tpu.barrier barrier_id(%barrier3A_40)
    "tpu.region"() ({
      %run_scoped3A = tpu.sem_alloc : memref<!tpu.dma_semaphore, #tpu.memory_space<semaphore_mem>>
      %dma_start3A_41 = arith.constant 0 : i32
      %dma_start3A_42 = tpu.memref_slice %arg6[%arg0, %mul3A_0, %dma_start3A_41] : memref<2x10240x64xf32, #tpu.memory_space<hbm>> -> memref<1x640x64xf32, #tpu.memory_space<hbm>>
      %dma_start3A_43 = tpu.memref_squeeze %dma_start3A_42 : memref<1x640x64xf32, #tpu.memory_space<hbm>> -> memref<640x64xf32, #tpu.memory_space<hbm>>
      %dma_start3A_44 = arith.constant 0 : i32
      %dma_start3A_45 = tpu.memref_slice %arg15[%mul3A_0, %dma_start3A_44] : memref<10240x64xf32, #tpu.memory_space<vmem_shared>> -> memref<640x64xf32, #tpu.memory_space<vmem_shared>>
      tpu.enqueue_dma source(%dma_start3A_45 : memref<640x64xf32, #tpu.memory_space<vmem_shared>>) target(%dma_start3A_43 : memref<640x64xf32, #tpu.memory_space<hbm>>) target_semaphore(%run_scoped3A : memref<!tpu.dma_semaphore, #tpu.memory_space<semaphore_mem>>)
      %dma_wait3A = arith.constant 0 : i32
      %dma_wait3A_46 = tpu.memref_slice %arg6[%arg0, %mul3A_0, %dma_wait3A] : memref<2x10240x64xf32, #tpu.memory_space<hbm>> -> memref<1x640x64xf32, #tpu.memory_space<hbm>>
      %dma_wait3A_47 = tpu.memref_squeeze %dma_wait3A_46 : memref<1x640x64xf32, #tpu.memory_space<hbm>> -> memref<640x64xf32, #tpu.memory_space<hbm>>
      %dma_wait3A_48 = arith.constant 0 : i32
      %dma_wait3A_49 = tpu.memref_slice %arg15[%mul3A_0, %dma_wait3A_48] : memref<10240x64xf32, #tpu.memory_space<vmem_shared>> -> memref<640x64xf32, #tpu.memory_space<vmem_shared>>
      tpu.wait_dma2 semaphore(%run_scoped3A : memref<!tpu.dma_semaphore, #tpu.memory_space<semaphore_mem>>) src(%dma_wait3A_49 : memref<640x64xf32, #tpu.memory_space<vmem_shared>>) dst(%dma_wait3A_47 : memref<640x64xf32, #tpu.memory_space<hbm>>)
      tpu.yield
    }) : () -> ()
    return
  }
}

#map = affine_map<(d0, d1) -> (0, 0, 0, 0)>
#map1 = affine_map<(d0, d1) -> (0, 0)>
#map2 = affine_map<(d0, d1) -> (0, 0, 0)>
module attributes {stable_mosaic.version = 14 : i64} {
  func.func @_deg_body(%arg0: i32, %arg1: i32, %arg2: memref<2x16x79x128xi32, #tpu.memory_space<hbm>>, %arg3: memref<10240x16xf32, #tpu.memory_space<hbm>>, %arg4: memref<2x10240x16xf32, #tpu.memory_space<hbm>>, %arg5: memref<79x128xi32, #tpu.memory_space<vmem>>, %arg6: memref<128x16xf32, #tpu.memory_space<vmem>>, %arg7: memref<10240x16xf32, #tpu.memory_space<vmem_shared>>) attributes {dimension_semantics = [#tpu.dimension_semantics<core_parallel>, #tpu.dimension_semantics<subcore_parallel>], iteration_bounds = array<i64: 2, 16>, scalar_prefetch = 0 : i64, scratch_operands = 3 : i64, tpu.core_type = #tpu.core_type<sc_vector_subcore>, window_params = [{transform_indices = #map}, {transform_indices = #map1}, {transform_indices = #map2}]} {
    %mul3A = arith.constant 640 : i32
    %mul3A_0 = arith.muli %arg1, %mul3A : i32
    "tpu.region"() ({
      %run_scoped3A = tpu.sem_alloc : memref<!tpu.dma_semaphore, #tpu.memory_space<semaphore_mem>>
      %dma_start3A = arith.constant 0 : i32
      %dma_start3A_14 = tpu.memref_slice %arg7[%mul3A_0, %dma_start3A] : memref<10240x16xf32, #tpu.memory_space<vmem_shared>> -> memref<640x16xf32, #tpu.memory_space<vmem_shared>>
      %dma_start3A_15 = arith.constant 0 : i32
      %dma_start3A_16 = tpu.memref_slice %arg3[%mul3A_0, %dma_start3A_15] : memref<10240x16xf32, #tpu.memory_space<hbm>> -> memref<640x16xf32, #tpu.memory_space<hbm>>
      tpu.enqueue_dma source(%dma_start3A_16 : memref<640x16xf32, #tpu.memory_space<hbm>>) target(%dma_start3A_14 : memref<640x16xf32, #tpu.memory_space<vmem_shared>>) target_semaphore(%run_scoped3A : memref<!tpu.dma_semaphore, #tpu.memory_space<semaphore_mem>>)
      %dma_wait3A = arith.constant 0 : i32
      %dma_wait3A_17 = tpu.memref_slice %arg7[%mul3A_0, %dma_wait3A] : memref<10240x16xf32, #tpu.memory_space<vmem_shared>> -> memref<640x16xf32, #tpu.memory_space<vmem_shared>>
      %dma_wait3A_18 = arith.constant 0 : i32
      %dma_wait3A_19 = tpu.memref_slice %arg3[%mul3A_0, %dma_wait3A_18] : memref<10240x16xf32, #tpu.memory_space<hbm>> -> memref<640x16xf32, #tpu.memory_space<hbm>>
      tpu.wait_dma2 semaphore(%run_scoped3A : memref<!tpu.dma_semaphore, #tpu.memory_space<semaphore_mem>>) src(%dma_wait3A_19 : memref<640x16xf32, #tpu.memory_space<hbm>>) dst(%dma_wait3A_17 : memref<640x16xf32, #tpu.memory_space<vmem_shared>>)
      tpu.yield
    }) : () -> ()
    "tpu.region"() ({
      %run_scoped3A = tpu.sem_alloc : memref<!tpu.dma_semaphore, #tpu.memory_space<semaphore_mem>>
      %dma_start3A = arith.constant 0 : i32
      %dma_start3A_14 = arith.constant 0 : i32
      %dma_start3A_15 = tpu.memref_slice %arg2[%arg0, %arg1, %dma_start3A, %dma_start3A_14] : memref<2x16x79x128xi32, #tpu.memory_space<hbm>> -> memref<1x1x79x128xi32, #tpu.memory_space<hbm>>
      %dma_start3A_16 = tpu.memref_squeeze %dma_start3A_15 : memref<1x1x79x128xi32, #tpu.memory_space<hbm>> -> memref<79x128xi32, #tpu.memory_space<hbm>>
      %dma_start3A_17 = arith.constant 0 : i32
      %dma_start3A_18 = arith.constant 0 : i32
      %dma_start3A_19 = tpu.memref_slice %arg2[%arg0, %arg1, %dma_start3A_17, %dma_start3A_18] : memref<2x16x79x128xi32, #tpu.memory_space<hbm>> -> memref<1x1x79x128xi32, #tpu.memory_space<hbm>>
      %dma_start3A_20 = tpu.memref_squeeze %dma_start3A_19 : memref<1x1x79x128xi32, #tpu.memory_space<hbm>> -> memref<79x128xi32, #tpu.memory_space<hbm>>
      tpu.enqueue_dma source(%dma_start3A_20 : memref<79x128xi32, #tpu.memory_space<hbm>>) target(%arg5 : memref<79x128xi32, #tpu.memory_space<vmem>>) target_semaphore(%run_scoped3A : memref<!tpu.dma_semaphore, #tpu.memory_space<semaphore_mem>>)
      %dma_wait3A = arith.constant 0 : i32
      %dma_wait3A_21 = arith.constant 0 : i32
      %dma_wait3A_22 = tpu.memref_slice %arg2[%arg0, %arg1, %dma_wait3A, %dma_wait3A_21] : memref<2x16x79x128xi32, #tpu.memory_space<hbm>> -> memref<1x1x79x128xi32, #tpu.memory_space<hbm>>
      %dma_wait3A_23 = tpu.memref_squeeze %dma_wait3A_22 : memref<1x1x79x128xi32, #tpu.memory_space<hbm>> -> memref<79x128xi32, #tpu.memory_space<hbm>>
      %dma_wait3A_24 = arith.constant 0 : i32
      %dma_wait3A_25 = arith.constant 0 : i32
      %dma_wait3A_26 = tpu.memref_slice %arg2[%arg0, %arg1, %dma_wait3A_24, %dma_wait3A_25] : memref<2x16x79x128xi32, #tpu.memory_space<hbm>> -> memref<1x1x79x128xi32, #tpu.memory_space<hbm>>
      %dma_wait3A_27 = tpu.memref_squeeze %dma_wait3A_26 : memref<1x1x79x128xi32, #tpu.memory_space<hbm>> -> memref<79x128xi32, #tpu.memory_space<hbm>>
      tpu.wait_dma2 semaphore(%run_scoped3A : memref<!tpu.dma_semaphore, #tpu.memory_space<semaphore_mem>>) src(%dma_wait3A_27 : memref<79x128xi32, #tpu.memory_space<hbm>>) dst(%arg5 : memref<79x128xi32, #tpu.memory_space<vmem>>)
      tpu.yield
    }) : () -> ()
    %broadcast_in_dim3A = arith.constant 1.000000e+00 : f32
    %broadcast_in_dim3A_1 = vector.broadcast %broadcast_in_dim3A : f32 to vector<16xf32>
    %scan3A = arith.constant 0 : i32
    %scan3A_2 = arith.constant 0 : i32
    %scan3A_3 = arith.constant 128 : i32
    %scan3A_4 = arith.addi %scan3A_2, %scan3A_3 : i32
    %scan3A_5 = arith.constant 1 : i32
    scf.for %scan3A_14 = %scan3A_2 to %scan3A_4 step %scan3A_5  : i32 {
      %swap3A = arith.index_cast %scan3A_14 : i32 to index
      %swap3A_15 = arith.constant 0 : index
      %swap3A_16 = tpu.vector_load %arg6[%swap3A, %swap3A_15] {strides = array<i32>} : memref<128x16xf32, #tpu.memory_space<vmem>>, vector<1x16xf32>,
      %swap3A_17 = vector.shape_cast %swap3A_16 : vector<1x16xf32> to vector<16xf32>
      %swap3A_18 = vector.shape_cast %broadcast_in_dim3A_1 : vector<16xf32> to vector<1x16xf32>
      tpu.vector_store %arg6[%swap3A, %swap3A_15], %swap3A_18 {strides = array<i32>} : memref<128x16xf32, #tpu.memory_space<vmem>>, vector<1x16xf32>,
    }
    %scan3A_6 = arith.constant 128 : i32
    %barrier3A = arith.constant 0 : index
    tpu.barrier barrier_id(%barrier3A)
    %scan3A_7 = arith.constant 0 : i32
    %scan3A_8 = arith.constant 0 : i32
    %scan3A_9 = arith.constant 79 : i32
    %scan3A_10 = arith.addi %scan3A_8, %scan3A_9 : i32
    %scan3A_11 = arith.constant 1 : i32
    scf.for %scan3A_14 = %scan3A_8 to %scan3A_10 step %scan3A_11  : i32 {
      "tpu.region"() ({
        %run_scoped3A = tpu.sem_alloc : memref<!tpu.dma_semaphore, #tpu.memory_space<semaphore_mem>>
        %dma_start3A = arith.constant 0 : i32
        %dma_start3A_15 = tpu.memref_slice %arg5[%scan3A_14, %dma_start3A] : memref<79x128xi32, #tpu.memory_space<vmem>> -> memref<1x128xi32, #tpu.memory_space<vmem>>
        %dma_start3A_16 = tpu.memref_squeeze %dma_start3A_15 : memref<1x128xi32, #tpu.memory_space<vmem>> -> memref<128xi32, #tpu.memory_space<vmem>>
        %dma_start3A_17 = arith.constant 0 : i32
        %dma_start3A_18 = arith.constant 0 : i32
        %dma_start3A_19 = tpu.memref_slice %arg7[%dma_start3A_17, %dma_start3A_18] : memref<10240x16xf32, #tpu.memory_space<vmem_shared>> -> memref<10240x16xf32, #tpu.memory_space<vmem_shared>>
        tpu.enqueue_indirect_dma source(%arg6 : memref<128x16xf32, #tpu.memory_space<vmem>>) target(%dma_start3A_19 : memref<10240x16xf32, #tpu.memory_space<vmem_shared>>) offsets(%dma_start3A_16 : memref<128xi32, #tpu.memory_space<vmem>>) semaphore(%run_scoped3A : memref<!tpu.dma_semaphore, #tpu.memory_space<semaphore_mem>>) {add = true}
        %dma_wait3A = arith.constant 0 : i32
        %dma_wait3A_20 = tpu.memref_slice %arg5[%scan3A_14, %dma_wait3A] : memref<79x128xi32, #tpu.memory_space<vmem>> -> memref<1x128xi32, #tpu.memory_space<vmem>>
        %dma_wait3A_21 = tpu.memref_squeeze %dma_wait3A_20 : memref<1x128xi32, #tpu.memory_space<vmem>> -> memref<128xi32, #tpu.memory_space<vmem>>
        %dma_wait3A_22 = arith.constant 0 : i32
        %dma_wait3A_23 = arith.constant 0 : i32
        %dma_wait3A_24 = tpu.memref_slice %arg7[%dma_wait3A_22, %dma_wait3A_23] : memref<10240x16xf32, #tpu.memory_space<vmem_shared>> -> memref<10240x16xf32, #tpu.memory_space<vmem_shared>>
        tpu.wait_indirect_dma semaphore(%run_scoped3A : memref<!tpu.dma_semaphore, #tpu.memory_space<semaphore_mem>>) src(%arg6 : memref<128x16xf32, #tpu.memory_space<vmem>>) dst(%dma_wait3A_24 : memref<10240x16xf32, #tpu.memory_space<vmem_shared>>)
        tpu.yield
      }) : () -> ()
    }
    %scan3A_12 = arith.constant 79 : i32
    %barrier3A_13 = arith.constant 0 : index
    tpu.barrier barrier_id(%barrier3A_13)
    "tpu.region"() ({
      %run_scoped3A = tpu.sem_alloc : memref<!tpu.dma_semaphore, #tpu.memory_space<semaphore_mem>>
      %dma_start3A = arith.constant 0 : i32
      %dma_start3A_14 = tpu.memref_slice %arg4[%arg0, %mul3A_0, %dma_start3A] : memref<2x10240x16xf32, #tpu.memory_space<hbm>> -> memref<1x640x16xf32, #tpu.memory_space<hbm>>
      %dma_start3A_15 = tpu.memref_squeeze %dma_start3A_14 : memref<1x640x16xf32, #tpu.memory_space<hbm>> -> memref<640x16xf32, #tpu.memory_space<hbm>>
      %dma_start3A_16 = arith.constant 0 : i32
      %dma_start3A_17 = tpu.memref_slice %arg7[%mul3A_0, %dma_start3A_16] : memref<10240x16xf32, #tpu.memory_space<vmem_shared>> -> memref<640x16xf32, #tpu.memory_space<vmem_shared>>
      tpu.enqueue_dma source(%dma_start3A_17 : memref<640x16xf32, #tpu.memory_space<vmem_shared>>) target(%dma_start3A_15 : memref<640x16xf32, #tpu.memory_space<hbm>>) target_semaphore(%run_scoped3A : memref<!tpu.dma_semaphore, #tpu.memory_space<semaphore_mem>>)
      %dma_wait3A = arith.constant 0 : i32
      %dma_wait3A_18 = tpu.memref_slice %arg4[%arg0, %mul3A_0, %dma_wait3A] : memref<2x10240x16xf32, #tpu.memory_space<hbm>> -> memref<1x640x16xf32, #tpu.memory_space<hbm>>
      %dma_wait3A_19 = tpu.memref_squeeze %dma_wait3A_18 : memref<1x640x16xf32, #tpu.memory_space<hbm>> -> memref<640x16xf32, #tpu.memory_space<hbm>>
      %dma_wait3A_20 = arith.constant 0 : i32
      %dma_wait3A_21 = tpu.memref_slice %arg7[%mul3A_0, %dma_wait3A_20] : memref<10240x16xf32, #tpu.memory_space<vmem_shared>> -> memref<640x16xf32, #tpu.memory_space<vmem_shared>>
      tpu.wait_dma2 semaphore(%run_scoped3A : memref<!tpu.dma_semaphore, #tpu.memory_space<semaphore_mem>>) src(%dma_wait3A_21 : memref<640x16xf32, #tpu.memory_space<vmem_shared>>) dst(%dma_wait3A_19 : memref<640x16xf32, #tpu.memory_space<hbm>>)
      tpu.yield
    }) : () -> ()
    return
  }
}

#map = affine_map<(d0, d1) -> (0, 0)>
#map1 = affine_map<(d0, d1) -> (0, 0, 0, 0)>
#map2 = affine_map<(d0, d1) -> (0, 0, 0)>
module attributes {stable_mosaic.version = 14 : i64} {
  func.func @_agg_body(%arg0: i32, %arg1: i32, %arg2: memref<20000x80xf32, #tpu.memory_space<hbm>>, %arg3: memref<2x16x157x128xi32, #tpu.memory_space<hbm>>, %arg4: memref<16x157x128xi32, #tpu.memory_space<hbm>>, %arg5: memref<10240x80xf32, #tpu.memory_space<hbm>>, %arg6: memref<2x10240x80xf32, #tpu.memory_space<hbm>>, %arg7: memref<157x128xi32, #tpu.memory_space<vmem>>, %arg8: memref<157x128xi32, #tpu.memory_space<vmem>>, %arg9: memref<128x80xf32, #tpu.memory_space<vmem>>, %arg10: memref<128x80xf32, #tpu.memory_space<vmem>>, %arg11: memref<128x80xf32, #tpu.memory_space<vmem>>, %arg12: memref<10240x80xf32, #tpu.memory_space<vmem_shared>>, %arg13: memref<!tpu.dma_semaphore, #tpu.memory_space<semaphore_mem>>, %arg14: memref<!tpu.dma_semaphore, #tpu.memory_space<semaphore_mem>>, %arg15: memref<!tpu.dma_semaphore, #tpu.memory_space<semaphore_mem>>) attributes {dimension_semantics = [#tpu.dimension_semantics<core_parallel>, #tpu.dimension_semantics<subcore_parallel>], iteration_bounds = array<i64: 2, 16>, scalar_prefetch = 0 : i64, scratch_operands = 9 : i64, tpu.core_type = #tpu.core_type<sc_vector_subcore>, window_params = [{transform_indices = #map}, {transform_indices = #map1}, {transform_indices = #map2}, {transform_indices = #map}, {transform_indices = #map2}]} {
    %mul3A = arith.constant 640 : i32
    %mul3A_0 = arith.muli %arg1, %mul3A : i32
    "tpu.region"() ({
      %run_scoped3A = tpu.sem_alloc : memref<!tpu.dma_semaphore, #tpu.memory_space<semaphore_mem>>
      %dma_start3A_20 = arith.constant 0 : i32
      %dma_start3A_21 = tpu.memref_slice %arg12[%mul3A_0, %dma_start3A_20] : memref<10240x80xf32, #tpu.memory_space<vmem_shared>> -> memref<640x80xf32, #tpu.memory_space<vmem_shared>>
      %dma_start3A_22 = arith.constant 0 : i32
      %dma_start3A_23 = tpu.memref_slice %arg5[%mul3A_0, %dma_start3A_22] : memref<10240x80xf32, #tpu.memory_space<hbm>> -> memref<640x80xf32, #tpu.memory_space<hbm>>
      tpu.enqueue_dma source(%dma_start3A_23 : memref<640x80xf32, #tpu.memory_space<hbm>>) target(%dma_start3A_21 : memref<640x80xf32, #tpu.memory_space<vmem_shared>>) target_semaphore(%run_scoped3A : memref<!tpu.dma_semaphore, #tpu.memory_space<semaphore_mem>>)
      %dma_wait3A = arith.constant 0 : i32
      %dma_wait3A_24 = tpu.memref_slice %arg12[%mul3A_0, %dma_wait3A] : memref<10240x80xf32, #tpu.memory_space<vmem_shared>> -> memref<640x80xf32, #tpu.memory_space<vmem_shared>>
      %dma_wait3A_25 = arith.constant 0 : i32
      %dma_wait3A_26 = tpu.memref_slice %arg5[%mul3A_0, %dma_wait3A_25] : memref<10240x80xf32, #tpu.memory_space<hbm>> -> memref<640x80xf32, #tpu.memory_space<hbm>>
      tpu.wait_dma2 semaphore(%run_scoped3A : memref<!tpu.dma_semaphore, #tpu.memory_space<semaphore_mem>>) src(%dma_wait3A_26 : memref<640x80xf32, #tpu.memory_space<hbm>>) dst(%dma_wait3A_24 : memref<640x80xf32, #tpu.memory_space<vmem_shared>>)
      tpu.yield
    }) : () -> ()
    "tpu.region"() ({
      %run_scoped3A = tpu.sem_alloc : memref<!tpu.dma_semaphore, #tpu.memory_space<semaphore_mem>>
      %dma_start3A_20 = arith.constant 0 : i32
      %dma_start3A_21 = arith.constant 0 : i32
      %dma_start3A_22 = tpu.memref_slice %arg3[%arg0, %arg1, %dma_start3A_20, %dma_start3A_21] : memref<2x16x157x128xi32, #tpu.memory_space<hbm>> -> memref<1x1x157x128xi32, #tpu.memory_space<hbm>>
      %dma_start3A_23 = tpu.memref_squeeze %dma_start3A_22 : memref<1x1x157x128xi32, #tpu.memory_space<hbm>> -> memref<157x128xi32, #tpu.memory_space<hbm>>
      %dma_start3A_24 = arith.constant 0 : i32
      %dma_start3A_25 = arith.constant 0 : i32
      %dma_start3A_26 = tpu.memref_slice %arg3[%arg0, %arg1, %dma_start3A_24, %dma_start3A_25] : memref<2x16x157x128xi32, #tpu.memory_space<hbm>> -> memref<1x1x157x128xi32, #tpu.memory_space<hbm>>
      %dma_start3A_27 = tpu.memref_squeeze %dma_start3A_26 : memref<1x1x157x128xi32, #tpu.memory_space<hbm>> -> memref<157x128xi32, #tpu.memory_space<hbm>>
      tpu.enqueue_dma source(%dma_start3A_27 : memref<157x128xi32, #tpu.memory_space<hbm>>) target(%arg7 : memref<157x128xi32, #tpu.memory_space<vmem>>) target_semaphore(%run_scoped3A : memref<!tpu.dma_semaphore, #tpu.memory_space<semaphore_mem>>)
      %dma_wait3A = arith.constant 0 : i32
      %dma_wait3A_28 = arith.constant 0 : i32
      %dma_wait3A_29 = tpu.memref_slice %arg3[%arg0, %arg1, %dma_wait3A, %dma_wait3A_28] : memref<2x16x157x128xi32, #tpu.memory_space<hbm>> -> memref<1x1x157x128xi32, #tpu.memory_space<hbm>>
      %dma_wait3A_30 = tpu.memref_squeeze %dma_wait3A_29 : memref<1x1x157x128xi32, #tpu.memory_space<hbm>> -> memref<157x128xi32, #tpu.memory_space<hbm>>
      %dma_wait3A_31 = arith.constant 0 : i32
      %dma_wait3A_32 = arith.constant 0 : i32
      %dma_wait3A_33 = tpu.memref_slice %arg3[%arg0, %arg1, %dma_wait3A_31, %dma_wait3A_32] : memref<2x16x157x128xi32, #tpu.memory_space<hbm>> -> memref<1x1x157x128xi32, #tpu.memory_space<hbm>>
      %dma_wait3A_34 = tpu.memref_squeeze %dma_wait3A_33 : memref<1x1x157x128xi32, #tpu.memory_space<hbm>> -> memref<157x128xi32, #tpu.memory_space<hbm>>
      tpu.wait_dma2 semaphore(%run_scoped3A : memref<!tpu.dma_semaphore, #tpu.memory_space<semaphore_mem>>) src(%dma_wait3A_34 : memref<157x128xi32, #tpu.memory_space<hbm>>) dst(%arg7 : memref<157x128xi32, #tpu.memory_space<vmem>>)
      tpu.yield
    }) : () -> ()
    "tpu.region"() ({
      %run_scoped3A = tpu.sem_alloc : memref<!tpu.dma_semaphore, #tpu.memory_space<semaphore_mem>>
      %dma_start3A_20 = arith.constant 0 : i32
      %dma_start3A_21 = arith.constant 0 : i32
      %dma_start3A_22 = tpu.memref_slice %arg4[%arg1, %dma_start3A_20, %dma_start3A_21] : memref<16x157x128xi32, #tpu.memory_space<hbm>> -> memref<1x157x128xi32, #tpu.memory_space<hbm>>
      %dma_start3A_23 = tpu.memref_squeeze %dma_start3A_22 : memref<1x157x128xi32, #tpu.memory_space<hbm>> -> memref<157x128xi32, #tpu.memory_space<hbm>>
      %dma_start3A_24 = arith.constant 0 : i32
      %dma_start3A_25 = arith.constant 0 : i32
      %dma_start3A_26 = tpu.memref_slice %arg4[%arg1, %dma_start3A_24, %dma_start3A_25] : memref<16x157x128xi32, #tpu.memory_space<hbm>> -> memref<1x157x128xi32, #tpu.memory_space<hbm>>
      %dma_start3A_27 = tpu.memref_squeeze %dma_start3A_26 : memref<1x157x128xi32, #tpu.memory_space<hbm>> -> memref<157x128xi32, #tpu.memory_space<hbm>>
      tpu.enqueue_dma source(%dma_start3A_27 : memref<157x128xi32, #tpu.memory_space<hbm>>) target(%arg8 : memref<157x128xi32, #tpu.memory_space<vmem>>) target_semaphore(%run_scoped3A : memref<!tpu.dma_semaphore, #tpu.memory_space<semaphore_mem>>)
      %dma_wait3A = arith.constant 0 : i32
      %dma_wait3A_28 = arith.constant 0 : i32
      %dma_wait3A_29 = tpu.memref_slice %arg4[%arg1, %dma_wait3A, %dma_wait3A_28] : memref<16x157x128xi32, #tpu.memory_space<hbm>> -> memref<1x157x128xi32, #tpu.memory_space<hbm>>
      %dma_wait3A_30 = tpu.memref_squeeze %dma_wait3A_29 : memref<1x157x128xi32, #tpu.memory_space<hbm>> -> memref<157x128xi32, #tpu.memory_space<hbm>>
      %dma_wait3A_31 = arith.constant 0 : i32
      %dma_wait3A_32 = arith.constant 0 : i32
      %dma_wait3A_33 = tpu.memref_slice %arg4[%arg1, %dma_wait3A_31, %dma_wait3A_32] : memref<16x157x128xi32, #tpu.memory_space<hbm>> -> memref<1x157x128xi32, #tpu.memory_space<hbm>>
      %dma_wait3A_34 = tpu.memref_squeeze %dma_wait3A_33 : memref<1x157x128xi32, #tpu.memory_space<hbm>> -> memref<157x128xi32, #tpu.memory_space<hbm>>
      tpu.wait_dma2 semaphore(%run_scoped3A : memref<!tpu.dma_semaphore, #tpu.memory_space<semaphore_mem>>) src(%dma_wait3A_34 : memref<157x128xi32, #tpu.memory_space<hbm>>) dst(%arg8 : memref<157x128xi32, #tpu.memory_space<vmem>>)
      tpu.yield
    }) : () -> ()
    %barrier3A = arith.constant 0 : index
    tpu.barrier barrier_id(%barrier3A)
    %dma_start3A = arith.constant 0 : i32
    %dma_start3A_1 = arith.constant 0 : i32
    %dma_start3A_2 = tpu.memref_slice %arg7[%dma_start3A, %dma_start3A_1] : memref<157x128xi32, #tpu.memory_space<vmem>> -> memref<1x128xi32, #tpu.memory_space<vmem>>
    %dma_start3A_3 = tpu.memref_squeeze %dma_start3A_2 : memref<1x128xi32, #tpu.memory_space<vmem>> -> memref<128xi32, #tpu.memory_space<vmem>>
    %dma_start3A_4 = arith.constant 0 : i32
    %dma_start3A_5 = arith.constant 0 : i32
    %dma_start3A_6 = tpu.memref_slice %arg2[%dma_start3A_4, %dma_start3A_5] : memref<20000x80xf32, #tpu.memory_space<hbm>> -> memref<20000x80xf32, #tpu.memory_space<hbm>>
    tpu.enqueue_indirect_dma source(%dma_start3A_6 : memref<20000x80xf32, #tpu.memory_space<hbm>>) target(%arg9 : memref<128x80xf32, #tpu.memory_space<vmem>>) offsets(%dma_start3A_3 : memref<128xi32, #tpu.memory_space<vmem>>) semaphore(%arg13 : memref<!tpu.dma_semaphore, #tpu.memory_space<semaphore_mem>>)
    %dma_start3A_7 = arith.constant 1 : i32
    %dma_start3A_8 = arith.constant 0 : i32
    %dma_start3A_9 = tpu.memref_slice %arg7[%dma_start3A_7, %dma_start3A_8] : memref<157x128xi32, #tpu.memory_space<vmem>> -> memref<1x128xi32, #tpu.memory_space<vmem>>
    %dma_start3A_10 = tpu.memref_squeeze %dma_start3A_9 : memref<1x128xi32, #tpu.memory_space<vmem>> -> memref<128xi32, #tpu.memory_space<vmem>>
    %dma_start3A_11 = arith.constant 0 : i32
    %dma_start3A_12 = arith.constant 0 : i32
    %dma_start3A_13 = tpu.memref_slice %arg2[%dma_start3A_11, %dma_start3A_12] : memref<20000x80xf32, #tpu.memory_space<hbm>> -> memref<20000x80xf32, #tpu.memory_space<hbm>>
    tpu.enqueue_indirect_dma source(%dma_start3A_13 : memref<20000x80xf32, #tpu.memory_space<hbm>>) target(%arg10 : memref<128x80xf32, #tpu.memory_space<vmem>>) offsets(%dma_start3A_10 : memref<128xi32, #tpu.memory_space<vmem>>) semaphore(%arg14 : memref<!tpu.dma_semaphore, #tpu.memory_space<semaphore_mem>>)
    %scan3A = arith.constant 0 : i32
    %scan3A_14 = arith.constant 0 : i32
    %scan3A_15 = arith.constant 157 : i32
    %scan3A_16 = arith.addi %scan3A_14, %scan3A_15 : i32
    %scan3A_17 = arith.constant 1 : i32
    scf.for %scan3A_20 = %scan3A_14 to %scan3A_16 step %scan3A_17  : i32 {
      %jit3A = arith.constant 3 : i32
      %eq3A = arith.constant 0 : i32
      %eq3A_21 = arith.cmpi eq, %jit3A, %eq3A : i32
      %jit3A_22 = arith.constant 1 : i32
      %select_n3A = arith.select %eq3A_21, %jit3A_22, %jit3A : i32
      %rem3A = arith.remsi %scan3A_20, %select_n3A : i32
      %ne3A = arith.constant 0 : i32
      %ne3A_23 = arith.cmpi ne, %rem3A, %ne3A : i32
      %lt3A = arith.constant 0 : i32
      %lt3A_24 = arith.cmpi slt, %rem3A, %lt3A : i32
      %lt3A_25 = arith.constant 0 : i32
      %lt3A_26 = arith.cmpi slt, %select_n3A, %lt3A_25 : i32
      %ne3A_27 = arith.xori %lt3A_24, %lt3A_26 : i1
      %and3A = arith.andi %ne3A_27, %ne3A_23 : i1
      %add3A = arith.addi %rem3A, %select_n3A : i32
      %select_n3A_28 = arith.select %and3A, %add3A, %rem3A : i32
      %eq3A_29 = arith.constant 0 : i32
      %eq3A_30 = arith.cmpi eq, %select_n3A_28, %eq3A_29 : i32
      %convert_element_type3A = arith.extui %eq3A_30 : i1 to i32
      %cond3A = arith.constant 0 : i32
      %cond3A_31 = arith.cmpi ne, %convert_element_type3A, %cond3A : i32
      scf.if %cond3A_31 {
        %dma_wait3A = arith.constant 0 : i32
        %dma_wait3A_42 = tpu.memref_slice %arg7[%scan3A_20, %dma_wait3A] : memref<157x128xi32, #tpu.memory_space<vmem>> -> memref<1x128xi32, #tpu.memory_space<vmem>>
        %dma_wait3A_43 = tpu.memref_squeeze %dma_wait3A_42 : memref<1x128xi32, #tpu.memory_space<vmem>> -> memref<128xi32, #tpu.memory_space<vmem>>
        %dma_wait3A_44 = arith.constant 0 : i32
        %dma_wait3A_45 = arith.constant 0 : i32
        %dma_wait3A_46 = tpu.memref_slice %arg2[%dma_wait3A_44, %dma_wait3A_45] : memref<20000x80xf32, #tpu.memory_space<hbm>> -> memref<20000x80xf32, #tpu.memory_space<hbm>>
        tpu.wait_indirect_dma semaphore(%arg13 : memref<!tpu.dma_semaphore, #tpu.memory_space<semaphore_mem>>) src(%dma_wait3A_46 : memref<20000x80xf32, #tpu.memory_space<hbm>>) dst(%arg9 : memref<128x80xf32, #tpu.memory_space<vmem>>)
        %add3A_47 = arith.constant 3 : i32
        %add3A_48 = arith.addi %scan3A_20, %add3A_47 : i32
        %sub3A = arith.constant 1 : i32
        %sub3A_49 = arith.subi %add3A_48, %sub3A : i32
        %lt3A_50 = arith.constant 157 : i32
        %lt3A_51 = arith.cmpi slt, %sub3A_49, %lt3A_50 : i32
        %convert_element_type3A_52 = arith.extui %lt3A_51 : i1 to i32
        %cond3A_53 = arith.constant 0 : i32
        %cond3A_54 = arith.cmpi ne, %convert_element_type3A_52, %cond3A_53 : i32
        scf.if %cond3A_54 {
          %add3A_55 = arith.constant 3 : i32
          %add3A_56 = arith.addi %scan3A_20, %add3A_55 : i32
          %sub3A_57 = arith.constant 1 : i32
          %sub3A_58 = arith.subi %add3A_56, %sub3A_57 : i32
          %dma_start3A_59 = arith.constant 0 : i32
          %dma_start3A_60 = tpu.memref_slice %arg7[%sub3A_58, %dma_start3A_59] : memref<157x128xi32, #tpu.memory_space<vmem>> -> memref<1x128xi32, #tpu.memory_space<vmem>>
          %dma_start3A_61 = tpu.memref_squeeze %dma_start3A_60 : memref<1x128xi32, #tpu.memory_space<vmem>> -> memref<128xi32, #tpu.memory_space<vmem>>
          %dma_start3A_62 = arith.constant 0 : i32
          %dma_start3A_63 = arith.constant 0 : i32
          %dma_start3A_64 = tpu.memref_slice %arg2[%dma_start3A_62, %dma_start3A_63] : memref<20000x80xf32, #tpu.memory_space<hbm>> -> memref<20000x80xf32, #tpu.memory_space<hbm>>
          tpu.enqueue_indirect_dma source(%dma_start3A_64 : memref<20000x80xf32, #tpu.memory_space<hbm>>) target(%arg11 : memref<128x80xf32, #tpu.memory_space<vmem>>) offsets(%dma_start3A_61 : memref<128xi32, #tpu.memory_space<vmem>>) semaphore(%arg15 : memref<!tpu.dma_semaphore, #tpu.memory_space<semaphore_mem>>)
        } else {
        }
        "tpu.region"() ({
          %run_scoped3A = tpu.sem_alloc : memref<!tpu.dma_semaphore, #tpu.memory_space<semaphore_mem>>
          %dma_start3A_55 = arith.constant 0 : i32
          %dma_start3A_56 = tpu.memref_slice %arg8[%scan3A_20, %dma_start3A_55] : memref<157x128xi32, #tpu.memory_space<vmem>> -> memref<1x128xi32, #tpu.memory_space<vmem>>
          %dma_start3A_57 = tpu.memref_squeeze %dma_start3A_56 : memref<1x128xi32, #tpu.memory_space<vmem>> -> memref<128xi32, #tpu.memory_space<vmem>>
          %dma_start3A_58 = arith.constant 0 : i32
          %dma_start3A_59 = arith.constant 0 : i32
          %dma_start3A_60 = tpu.memref_slice %arg12[%dma_start3A_58, %dma_start3A_59] : memref<10240x80xf32, #tpu.memory_space<vmem_shared>> -> memref<10240x80xf32, #tpu.memory_space<vmem_shared>>
          tpu.enqueue_indirect_dma source(%arg9 : memref<128x80xf32, #tpu.memory_space<vmem>>) target(%dma_start3A_60 : memref<10240x80xf32, #tpu.memory_space<vmem_shared>>) offsets(%dma_start3A_57 : memref<128xi32, #tpu.memory_space<vmem>>) semaphore(%run_scoped3A : memref<!tpu.dma_semaphore, #tpu.memory_space<semaphore_mem>>) {add = true}
          %dma_wait3A_61 = arith.constant 0 : i32
          %dma_wait3A_62 = tpu.memref_slice %arg8[%scan3A_20, %dma_wait3A_61] : memref<157x128xi32, #tpu.memory_space<vmem>> -> memref<1x128xi32, #tpu.memory_space<vmem>>
          %dma_wait3A_63 = tpu.memref_squeeze %dma_wait3A_62 : memref<1x128xi32, #tpu.memory_space<vmem>> -> memref<128xi32, #tpu.memory_space<vmem>>
          %dma_wait3A_64 = arith.constant 0 : i32
          %dma_wait3A_65 = arith.constant 0 : i32
          %dma_wait3A_66 = tpu.memref_slice %arg12[%dma_wait3A_64, %dma_wait3A_65] : memref<10240x80xf32, #tpu.memory_space<vmem_shared>> -> memref<10240x80xf32, #tpu.memory_space<vmem_shared>>
          tpu.wait_indirect_dma semaphore(%run_scoped3A : memref<!tpu.dma_semaphore, #tpu.memory_space<semaphore_mem>>) src(%arg9 : memref<128x80xf32, #tpu.memory_space<vmem>>) dst(%dma_wait3A_66 : memref<10240x80xf32, #tpu.memory_space<vmem_shared>>)
          tpu.yield
        }) : () -> ()
      } else {
      }
      %eq3A_32 = arith.constant 1 : i32
      %eq3A_33 = arith.cmpi eq, %select_n3A_28, %eq3A_32 : i32
      %convert_element_type3A_34 = arith.extui %eq3A_33 : i1 to i32
      %cond3A_35 = arith.constant 0 : i32
      %cond3A_36 = arith.cmpi ne, %convert_element_type3A_34, %cond3A_35 : i32
      scf.if %cond3A_36 {
        %dma_wait3A = arith.constant 0 : i32
        %dma_wait3A_42 = tpu.memref_slice %arg7[%scan3A_20, %dma_wait3A] : memref<157x128xi32, #tpu.memory_space<vmem>> -> memref<1x128xi32, #tpu.memory_space<vmem>>
        %dma_wait3A_43 = tpu.memref_squeeze %dma_wait3A_42 : memref<1x128xi32, #tpu.memory_space<vmem>> -> memref<128xi32, #tpu.memory_space<vmem>>
        %dma_wait3A_44 = arith.constant 0 : i32
        %dma_wait3A_45 = arith.constant 0 : i32
        %dma_wait3A_46 = tpu.memref_slice %arg2[%dma_wait3A_44, %dma_wait3A_45] : memref<20000x80xf32, #tpu.memory_space<hbm>> -> memref<20000x80xf32, #tpu.memory_space<hbm>>
        tpu.wait_indirect_dma semaphore(%arg14 : memref<!tpu.dma_semaphore, #tpu.memory_space<semaphore_mem>>) src(%dma_wait3A_46 : memref<20000x80xf32, #tpu.memory_space<hbm>>) dst(%arg10 : memref<128x80xf32, #tpu.memory_space<vmem>>)
        %add3A_47 = arith.constant 3 : i32
        %add3A_48 = arith.addi %scan3A_20, %add3A_47 : i32
        %sub3A = arith.constant 1 : i32
        %sub3A_49 = arith.subi %add3A_48, %sub3A : i32
        %lt3A_50 = arith.constant 157 : i32
        %lt3A_51 = arith.cmpi slt, %sub3A_49, %lt3A_50 : i32
        %convert_element_type3A_52 = arith.extui %lt3A_51 : i1 to i32
        %cond3A_53 = arith.constant 0 : i32
        %cond3A_54 = arith.cmpi ne, %convert_element_type3A_52, %cond3A_53 : i32
        scf.if %cond3A_54 {
          %add3A_55 = arith.constant 3 : i32
          %add3A_56 = arith.addi %scan3A_20, %add3A_55 : i32
          %sub3A_57 = arith.constant 1 : i32
          %sub3A_58 = arith.subi %add3A_56, %sub3A_57 : i32
          %dma_start3A_59 = arith.constant 0 : i32
          %dma_start3A_60 = tpu.memref_slice %arg7[%sub3A_58, %dma_start3A_59] : memref<157x128xi32, #tpu.memory_space<vmem>> -> memref<1x128xi32, #tpu.memory_space<vmem>>
          %dma_start3A_61 = tpu.memref_squeeze %dma_start3A_60 : memref<1x128xi32, #tpu.memory_space<vmem>> -> memref<128xi32, #tpu.memory_space<vmem>>
          %dma_start3A_62 = arith.constant 0 : i32
          %dma_start3A_63 = arith.constant 0 : i32
          %dma_start3A_64 = tpu.memref_slice %arg2[%dma_start3A_62, %dma_start3A_63] : memref<20000x80xf32, #tpu.memory_space<hbm>> -> memref<20000x80xf32, #tpu.memory_space<hbm>>
          tpu.enqueue_indirect_dma source(%dma_start3A_64 : memref<20000x80xf32, #tpu.memory_space<hbm>>) target(%arg9 : memref<128x80xf32, #tpu.memory_space<vmem>>) offsets(%dma_start3A_61 : memref<128xi32, #tpu.memory_space<vmem>>) semaphore(%arg13 : memref<!tpu.dma_semaphore, #tpu.memory_space<semaphore_mem>>)
        } else {
        }
        "tpu.region"() ({
          %run_scoped3A = tpu.sem_alloc : memref<!tpu.dma_semaphore, #tpu.memory_space<semaphore_mem>>
          %dma_start3A_55 = arith.constant 0 : i32
          %dma_start3A_56 = tpu.memref_slice %arg8[%scan3A_20, %dma_start3A_55] : memref<157x128xi32, #tpu.memory_space<vmem>> -> memref<1x128xi32, #tpu.memory_space<vmem>>
          %dma_start3A_57 = tpu.memref_squeeze %dma_start3A_56 : memref<1x128xi32, #tpu.memory_space<vmem>> -> memref<128xi32, #tpu.memory_space<vmem>>
          %dma_start3A_58 = arith.constant 0 : i32
          %dma_start3A_59 = arith.constant 0 : i32
          %dma_start3A_60 = tpu.memref_slice %arg12[%dma_start3A_58, %dma_start3A_59] : memref<10240x80xf32, #tpu.memory_space<vmem_shared>> -> memref<10240x80xf32, #tpu.memory_space<vmem_shared>>
          tpu.enqueue_indirect_dma source(%arg10 : memref<128x80xf32, #tpu.memory_space<vmem>>) target(%dma_start3A_60 : memref<10240x80xf32, #tpu.memory_space<vmem_shared>>) offsets(%dma_start3A_57 : memref<128xi32, #tpu.memory_space<vmem>>) semaphore(%run_scoped3A : memref<!tpu.dma_semaphore, #tpu.memory_space<semaphore_mem>>) {add = true}
          %dma_wait3A_61 = arith.constant 0 : i32
          %dma_wait3A_62 = tpu.memref_slice %arg8[%scan3A_20, %dma_wait3A_61] : memref<157x128xi32, #tpu.memory_space<vmem>> -> memref<1x128xi32, #tpu.memory_space<vmem>>
          %dma_wait3A_63 = tpu.memref_squeeze %dma_wait3A_62 : memref<1x128xi32, #tpu.memory_space<vmem>> -> memref<128xi32, #tpu.memory_space<vmem>>
          %dma_wait3A_64 = arith.constant 0 : i32
          %dma_wait3A_65 = arith.constant 0 : i32
          %dma_wait3A_66 = tpu.memref_slice %arg12[%dma_wait3A_64, %dma_wait3A_65] : memref<10240x80xf32, #tpu.memory_space<vmem_shared>> -> memref<10240x80xf32, #tpu.memory_space<vmem_shared>>
          tpu.wait_indirect_dma semaphore(%run_scoped3A : memref<!tpu.dma_semaphore, #tpu.memory_space<semaphore_mem>>) src(%arg10 : memref<128x80xf32, #tpu.memory_space<vmem>>) dst(%dma_wait3A_66 : memref<10240x80xf32, #tpu.memory_space<vmem_shared>>)
          tpu.yield
        }) : () -> ()
      } else {
      }
      %eq3A_37 = arith.constant 2 : i32
      %eq3A_38 = arith.cmpi eq, %select_n3A_28, %eq3A_37 : i32
      %convert_element_type3A_39 = arith.extui %eq3A_38 : i1 to i32
      %cond3A_40 = arith.constant 0 : i32
      %cond3A_41 = arith.cmpi ne, %convert_element_type3A_39, %cond3A_40 : i32
      scf.if %cond3A_41 {
        %dma_wait3A = arith.constant 0 : i32
        %dma_wait3A_42 = tpu.memref_slice %arg7[%scan3A_20, %dma_wait3A] : memref<157x128xi32, #tpu.memory_space<vmem>> -> memref<1x128xi32, #tpu.memory_space<vmem>>
        %dma_wait3A_43 = tpu.memref_squeeze %dma_wait3A_42 : memref<1x128xi32, #tpu.memory_space<vmem>> -> memref<128xi32, #tpu.memory_space<vmem>>
        %dma_wait3A_44 = arith.constant 0 : i32
        %dma_wait3A_45 = arith.constant 0 : i32
        %dma_wait3A_46 = tpu.memref_slice %arg2[%dma_wait3A_44, %dma_wait3A_45] : memref<20000x80xf32, #tpu.memory_space<hbm>> -> memref<20000x80xf32, #tpu.memory_space<hbm>>
        tpu.wait_indirect_dma semaphore(%arg15 : memref<!tpu.dma_semaphore, #tpu.memory_space<semaphore_mem>>) src(%dma_wait3A_46 : memref<20000x80xf32, #tpu.memory_space<hbm>>) dst(%arg11 : memref<128x80xf32, #tpu.memory_space<vmem>>)
        %add3A_47 = arith.constant 3 : i32
        %add3A_48 = arith.addi %scan3A_20, %add3A_47 : i32
        %sub3A = arith.constant 1 : i32
        %sub3A_49 = arith.subi %add3A_48, %sub3A : i32
        %lt3A_50 = arith.constant 157 : i32
        %lt3A_51 = arith.cmpi slt, %sub3A_49, %lt3A_50 : i32
        %convert_element_type3A_52 = arith.extui %lt3A_51 : i1 to i32
        %cond3A_53 = arith.constant 0 : i32
        %cond3A_54 = arith.cmpi ne, %convert_element_type3A_52, %cond3A_53 : i32
        scf.if %cond3A_54 {
          %add3A_55 = arith.constant 3 : i32
          %add3A_56 = arith.addi %scan3A_20, %add3A_55 : i32
          %sub3A_57 = arith.constant 1 : i32
          %sub3A_58 = arith.subi %add3A_56, %sub3A_57 : i32
          %dma_start3A_59 = arith.constant 0 : i32
          %dma_start3A_60 = tpu.memref_slice %arg7[%sub3A_58, %dma_start3A_59] : memref<157x128xi32, #tpu.memory_space<vmem>> -> memref<1x128xi32, #tpu.memory_space<vmem>>
          %dma_start3A_61 = tpu.memref_squeeze %dma_start3A_60 : memref<1x128xi32, #tpu.memory_space<vmem>> -> memref<128xi32, #tpu.memory_space<vmem>>
          %dma_start3A_62 = arith.constant 0 : i32
          %dma_start3A_63 = arith.constant 0 : i32
          %dma_start3A_64 = tpu.memref_slice %arg2[%dma_start3A_62, %dma_start3A_63] : memref<20000x80xf32, #tpu.memory_space<hbm>> -> memref<20000x80xf32, #tpu.memory_space<hbm>>
          tpu.enqueue_indirect_dma source(%dma_start3A_64 : memref<20000x80xf32, #tpu.memory_space<hbm>>) target(%arg10 : memref<128x80xf32, #tpu.memory_space<vmem>>) offsets(%dma_start3A_61 : memref<128xi32, #tpu.memory_space<vmem>>) semaphore(%arg14 : memref<!tpu.dma_semaphore, #tpu.memory_space<semaphore_mem>>)
        } else {
        }
        "tpu.region"() ({
          %run_scoped3A = tpu.sem_alloc : memref<!tpu.dma_semaphore, #tpu.memory_space<semaphore_mem>>
          %dma_start3A_55 = arith.constant 0 : i32
          %dma_start3A_56 = tpu.memref_slice %arg8[%scan3A_20, %dma_start3A_55] : memref<157x128xi32, #tpu.memory_space<vmem>> -> memref<1x128xi32, #tpu.memory_space<vmem>>
          %dma_start3A_57 = tpu.memref_squeeze %dma_start3A_56 : memref<1x128xi32, #tpu.memory_space<vmem>> -> memref<128xi32, #tpu.memory_space<vmem>>
          %dma_start3A_58 = arith.constant 0 : i32
          %dma_start3A_59 = arith.constant 0 : i32
          %dma_start3A_60 = tpu.memref_slice %arg12[%dma_start3A_58, %dma_start3A_59] : memref<10240x80xf32, #tpu.memory_space<vmem_shared>> -> memref<10240x80xf32, #tpu.memory_space<vmem_shared>>
          tpu.enqueue_indirect_dma source(%arg11 : memref<128x80xf32, #tpu.memory_space<vmem>>) target(%dma_start3A_60 : memref<10240x80xf32, #tpu.memory_space<vmem_shared>>) offsets(%dma_start3A_57 : memref<128xi32, #tpu.memory_space<vmem>>) semaphore(%run_scoped3A : memref<!tpu.dma_semaphore, #tpu.memory_space<semaphore_mem>>) {add = true}
          %dma_wait3A_61 = arith.constant 0 : i32
          %dma_wait3A_62 = tpu.memref_slice %arg8[%scan3A_20, %dma_wait3A_61] : memref<157x128xi32, #tpu.memory_space<vmem>> -> memref<1x128xi32, #tpu.memory_space<vmem>>
          %dma_wait3A_63 = tpu.memref_squeeze %dma_wait3A_62 : memref<1x128xi32, #tpu.memory_space<vmem>> -> memref<128xi32, #tpu.memory_space<vmem>>
          %dma_wait3A_64 = arith.constant 0 : i32
          %dma_wait3A_65 = arith.constant 0 : i32
          %dma_wait3A_66 = tpu.memref_slice %arg12[%dma_wait3A_64, %dma_wait3A_65] : memref<10240x80xf32, #tpu.memory_space<vmem_shared>> -> memref<10240x80xf32, #tpu.memory_space<vmem_shared>>
          tpu.wait_indirect_dma semaphore(%run_scoped3A : memref<!tpu.dma_semaphore, #tpu.memory_space<semaphore_mem>>) src(%arg11 : memref<128x80xf32, #tpu.memory_space<vmem>>) dst(%dma_wait3A_66 : memref<10240x80xf32, #tpu.memory_space<vmem_shared>>)
          tpu.yield
        }) : () -> ()
      } else {
      }
    }
    %scan3A_18 = arith.constant 157 : i32
    %barrier3A_19 = arith.constant 0 : index
    tpu.barrier barrier_id(%barrier3A_19)
    "tpu.region"() ({
      %run_scoped3A = tpu.sem_alloc : memref<!tpu.dma_semaphore, #tpu.memory_space<semaphore_mem>>
      %dma_start3A_20 = arith.constant 0 : i32
      %dma_start3A_21 = tpu.memref_slice %arg6[%arg0, %mul3A_0, %dma_start3A_20] : memref<2x10240x80xf32, #tpu.memory_space<hbm>> -> memref<1x640x80xf32, #tpu.memory_space<hbm>>
      %dma_start3A_22 = tpu.memref_squeeze %dma_start3A_21 : memref<1x640x80xf32, #tpu.memory_space<hbm>> -> memref<640x80xf32, #tpu.memory_space<hbm>>
      %dma_start3A_23 = arith.constant 0 : i32
      %dma_start3A_24 = tpu.memref_slice %arg12[%mul3A_0, %dma_start3A_23] : memref<10240x80xf32, #tpu.memory_space<vmem_shared>> -> memref<640x80xf32, #tpu.memory_space<vmem_shared>>
      tpu.enqueue_dma source(%dma_start3A_24 : memref<640x80xf32, #tpu.memory_space<vmem_shared>>) target(%dma_start3A_22 : memref<640x80xf32, #tpu.memory_space<hbm>>) target_semaphore(%run_scoped3A : memref<!tpu.dma_semaphore, #tpu.memory_space<semaphore_mem>>)
      %dma_wait3A = arith.constant 0 : i32
      %dma_wait3A_25 = tpu.memref_slice %arg6[%arg0, %mul3A_0, %dma_wait3A] : memref<2x10240x80xf32, #tpu.memory_space<hbm>> -> memref<1x640x80xf32, #tpu.memory_space<hbm>>
      %dma_wait3A_26 = tpu.memref_squeeze %dma_wait3A_25 : memref<1x640x80xf32, #tpu.memory_space<hbm>> -> memref<640x80xf32, #tpu.memory_space<hbm>>
      %dma_wait3A_27 = arith.constant 0 : i32
      %dma_wait3A_28 = tpu.memref_slice %arg12[%mul3A_0, %dma_wait3A_27] : memref<10240x80xf32, #tpu.memory_space<vmem_shared>> -> memref<640x80xf32, #tpu.memory_space<vmem_shared>>
      tpu.wait_dma2 semaphore(%run_scoped3A : memref<!tpu.dma_semaphore, #tpu.memory_space<semaphore_mem>>) src(%dma_wait3A_28 : memref<640x80xf32, #tpu.memory_space<vmem_shared>>) dst(%dma_wait3A_26 : memref<640x80xf32, #tpu.memory_space<hbm>>)
      tpu.yield
    }) : () -> ()
    return
  }
}

module attributes {stable_mosaic.version = 14 : i64} {
  func.func @_tc0_body(%arg0: i32, %arg1: memref<400x128xf32, #tpu.memory_space<vmem>>, %arg2: memref<2x400x16xf32, #tpu.memory_space<vmem>>, %arg3: memref<2x400x80xf32, #tpu.memory_space<vmem>>) attributes {dimension_semantics = [#tpu.dimension_semantics<arbitrary>], iteration_bounds = array<i64: 25>, scalar_prefetch = 0 : i64, scratch_operands = 0 : i64, tpu.core_type = #tpu.core_type<tc>, window_params = [{transform_indices = @transform_0, window_bounds = array<i64: 400, 128>}, {transform_indices = @transform_1, window_bounds = array<i64: 2, 400, 16>}, {transform_indices = @transform_2, window_bounds = array<i64: 2, 400, 80>}]} {
    %get3A = arith.constant 0 : index
    %get3A_0 = arith.constant 0 : index
    %get3A_1 = arith.constant 0 : index
    %get3A_2 = vector.load %arg2[%get3A, %get3A_0, %get3A_1] : memref<2x400x16xf32, #tpu.memory_space<vmem>>, vector<1x400x1xf32>
    %get3A_3 = vector.shape_cast %get3A_2 : vector<1x400x1xf32> to vector<400xf32>
    %add3A = arith.constant 1.000000e+00 : f32
    %add3A_4 = vector.broadcast %add3A : f32 to vector<400xf32>
    %add3A_5 = arith.addf %add3A_4, %get3A_3 : vector<400xf32>
    %get3A_6 = arith.constant 1 : index
    %get3A_7 = arith.constant 0 : index
    %get3A_8 = arith.constant 0 : index
    %get3A_9 = vector.load %arg2[%get3A_6, %get3A_7, %get3A_8] : memref<2x400x16xf32, #tpu.memory_space<vmem>>, vector<1x400x1xf32>
    %get3A_10 = vector.shape_cast %get3A_9 : vector<1x400x1xf32> to vector<400xf32>
    %add3A_11 = arith.addf %add3A_5, %get3A_10 : vector<400xf32>
    %rsqrt3A = math.rsqrt %add3A_11 : vector<400xf32>
    %broadcast_in_dim3A = vector.shape_cast %rsqrt3A : vector<400xf32> to vector<400x1xf32>
    %get3A_12 = arith.constant 0 : index
    %get3A_13 = arith.constant 0 : index
    %get3A_14 = vector.load %arg1[%get3A_12, %get3A_13] : memref<400x128xf32, #tpu.memory_space<vmem>>, vector<400x128xf32>
    %mul3A = vector.broadcast %broadcast_in_dim3A : vector<400x1xf32> to vector<400x128xf32>
    %mul3A_15 = arith.mulf %get3A_14, %mul3A : vector<400x128xf32>
    %broadcast_in_dim3A_16 = arith.constant 0.000000e+00 : f32
    %broadcast_in_dim3A_17 = vector.broadcast %broadcast_in_dim3A_16 : f32 to vector<400x15xf32>
    %slice3A = vector.extract_strided_slice %mul3A_15 {offsets = [0, 0], sizes = [400, 64], strides = [1, 1]} : vector<400x128xf32> to vector<400x64xf32>
    %concatenate3A = tpu.concatenate %slice3A, %broadcast_in_dim3A, %broadcast_in_dim3A_17 in 1 : vector<400x64xf32>, vector<400x1xf32>, vector<400x15xf32> -> vector<400x80xf32>
    %swap3A = arith.constant 0 : index
    %swap3A_18 = arith.constant 0 : index
    %swap3A_19 = arith.constant 0 : index
    %swap3A_20 = vector.load %arg3[%swap3A, %swap3A_18, %swap3A_19] : memref<2x400x80xf32, #tpu.memory_space<vmem>>, vector<1x400x80xf32>
    %swap3A_21 = vector.shape_cast %swap3A_20 : vector<1x400x80xf32> to vector<400x80xf32>
    %swap3A_22 = vector.shape_cast %concatenate3A : vector<400x80xf32> to vector<1x400x80xf32>
    tpu.vector_store %arg3[%swap3A, %swap3A_18, %swap3A_19], %swap3A_22 {strides = array<i32>} : memref<2x400x80xf32, #tpu.memory_space<vmem>>, vector<1x400x80xf32>,
    %slice3A_23 = vector.extract_strided_slice %mul3A_15 {offsets = [0, 64], sizes = [400, 64], strides = [1, 1]} : vector<400x128xf32> to vector<400x64xf32>
    %concatenate3A_24 = tpu.concatenate %slice3A_23, %broadcast_in_dim3A, %broadcast_in_dim3A_17 in 1 : vector<400x64xf32>, vector<400x1xf32>, vector<400x15xf32> -> vector<400x80xf32>
    %swap3A_25 = arith.constant 1 : index
    %swap3A_26 = arith.constant 0 : index
    %swap3A_27 = arith.constant 0 : index
    %swap3A_28 = vector.load %arg3[%swap3A_25, %swap3A_26, %swap3A_27] : memref<2x400x80xf32, #tpu.memory_space<vmem>>, vector<1x400x80xf32>
    %swap3A_29 = vector.shape_cast %swap3A_28 : vector<1x400x80xf32> to vector<400x80xf32>
    %swap3A_30 = vector.shape_cast %concatenate3A_24 : vector<400x80xf32> to vector<1x400x80xf32>
    tpu.vector_store %arg3[%swap3A_25, %swap3A_26, %swap3A_27], %swap3A_30 {strides = array<i32>} : memref<2x400x80xf32, #tpu.memory_space<vmem>>, vector<1x400x80xf32>,
    return
  }
  func.func @transform_0(%arg0: i32) -> (i32, i32) {
    %c0_i32 = arith.constant 0 : i32
    %c0_i32_0 = arith.constant 0 : i32
    return %arg0, %c0_i32 : i32, i32
  }
  func.func @transform_1(%arg0: i32) -> (i32, i32, i32) {
    %c0_i32 = arith.constant 0 : i32
    %c0_i32_0 = arith.constant 0 : i32
    %c0_i32_1 = arith.constant 0 : i32
    return %c0_i32, %arg0, %c0_i32_0 : i32, i32, i32
  }
  func.func @transform_2(%arg0: i32) -> (i32, i32, i32) {
    %c0_i32 = arith.constant 0 : i32
    %c0_i32_0 = arith.constant 0 : i32
    %c0_i32_1 = arith.constant 0 : i32
    return %c0_i32, %arg0, %c0_i32_0 : i32, i32, i32
  }
}

module attributes {stable_mosaic.version = 14 : i64} {
  func.func @_tc12_body(%arg0: i32, %arg1: memref<2x400x80xf32, #tpu.memory_space<vmem>>, %arg2: memref<400x128xf32, #tpu.memory_space<vmem>>, %arg3: memref<2x400x16xf32, #tpu.memory_space<vmem>>, %arg4: memref<128x256xf32, #tpu.memory_space<vmem>>, %arg5: memref<1x256xf32, #tpu.memory_space<vmem>>, %arg6: memref<256x64xf32, #tpu.memory_space<vmem>>, %arg7: memref<1x64xf32, #tpu.memory_space<vmem>>, %arg8: memref<400x64xf32, #tpu.memory_space<vmem>>) attributes {dimension_semantics = [#tpu.dimension_semantics<arbitrary>], iteration_bounds = array<i64: 25>, scalar_prefetch = 0 : i64, scratch_operands = 0 : i64, tpu.core_type = #tpu.core_type<tc>, window_params = [{transform_indices = @transform_0, window_bounds = array<i64: 2, 400, 80>}, {transform_indices = @transform_1, window_bounds = array<i64: 400, 128>}, {transform_indices = @transform_2, window_bounds = array<i64: 2, 400, 16>}, {pipeline_mode = #tpu.pipeline_mode<synchronous>, transform_indices = @transform_3, window_bounds = array<i64: 128, 256>}, {pipeline_mode = #tpu.pipeline_mode<synchronous>, transform_indices = @transform_4, window_bounds = array<i64: 1, 256>}, {pipeline_mode = #tpu.pipeline_mode<synchronous>, transform_indices = @transform_5, window_bounds = array<i64: 256, 64>}, {pipeline_mode = #tpu.pipeline_mode<synchronous>, transform_indices = @transform_6, window_bounds = array<i64: 1, 64>}, {transform_indices = @transform_7, window_bounds = array<i64: 400, 64>}]} {
    %get3A = arith.constant 0 : index
    %get3A_0 = arith.constant 0 : index
    %get3A_1 = arith.constant 0 : index
    %get3A_2 = vector.load %arg3[%get3A, %get3A_0, %get3A_1] : memref<2x400x16xf32, #tpu.memory_space<vmem>>, vector<1x400x1xf32>
    %get3A_3 = vector.shape_cast %get3A_2 : vector<1x400x1xf32> to vector<400xf32>
    %add3A = arith.constant 1.000000e+00 : f32
    %add3A_4 = vector.broadcast %add3A : f32 to vector<400xf32>
    %add3A_5 = arith.addf %add3A_4, %get3A_3 : vector<400xf32>
    %get3A_6 = arith.constant 1 : index
    %get3A_7 = arith.constant 0 : index
    %get3A_8 = arith.constant 0 : index
    %get3A_9 = vector.load %arg3[%get3A_6, %get3A_7, %get3A_8] : memref<2x400x16xf32, #tpu.memory_space<vmem>>, vector<1x400x1xf32>
    %get3A_10 = vector.shape_cast %get3A_9 : vector<1x400x1xf32> to vector<400xf32>
    %add3A_11 = arith.addf %add3A_5, %get3A_10 : vector<400xf32>
    %rsqrt3A = math.rsqrt %add3A_11 : vector<400xf32>
    %broadcast_in_dim3A = vector.shape_cast %rsqrt3A : vector<400xf32> to vector<400x1xf32>
    %get3A_12 = arith.constant 0 : index
    %get3A_13 = arith.constant 0 : index
    %get3A_14 = vector.load %arg2[%get3A_12, %get3A_13] : memref<400x128xf32, #tpu.memory_space<vmem>>, vector<400x128xf32>
    %mul3A = vector.broadcast %broadcast_in_dim3A : vector<400x1xf32> to vector<400x128xf32>
    %mul3A_15 = arith.mulf %get3A_14, %mul3A : vector<400x128xf32>
    %get3A_16 = arith.constant 0 : index
    %get3A_17 = arith.constant 0 : index
    %get3A_18 = arith.constant 0 : index
    %get3A_19 = vector.load %arg1[%get3A_16, %get3A_17, %get3A_18] : memref<2x400x80xf32, #tpu.memory_space<vmem>>, vector<1x400x64xf32>
    %get3A_20 = vector.shape_cast %get3A_19 : vector<1x400x64xf32> to vector<400x64xf32>
    %slice3A = vector.extract_strided_slice %mul3A_15 {offsets = [0, 0], sizes = [400, 64], strides = [1, 1]} : vector<400x128xf32> to vector<400x64xf32>
    %add3A_21 = arith.addf %get3A_20, %slice3A : vector<400x64xf32>
    %get3A_22 = arith.constant 1 : index
    %get3A_23 = arith.constant 0 : index
    %get3A_24 = arith.constant 0 : index
    %get3A_25 = vector.load %arg1[%get3A_22, %get3A_23, %get3A_24] : memref<2x400x80xf32, #tpu.memory_space<vmem>>, vector<1x400x64xf32>
    %get3A_26 = vector.shape_cast %get3A_25 : vector<1x400x64xf32> to vector<400x64xf32>
    %slice3A_27 = vector.extract_strided_slice %mul3A_15 {offsets = [0, 64], sizes = [400, 64], strides = [1, 1]} : vector<400x128xf32> to vector<400x64xf32>
    %add3A_28 = arith.addf %get3A_26, %slice3A_27 : vector<400x64xf32>
    %concatenate3A = tpu.concatenate %add3A_21, %add3A_28 in 1 : vector<400x64xf32>, vector<400x64xf32> -> vector<400x128xf32>
    %get3A_29 = arith.constant 0 : index
    %get3A_30 = arith.constant 0 : index
    %get3A_31 = arith.constant 64 : index
    %get3A_32 = vector.load %arg1[%get3A_29, %get3A_30, %get3A_31] : memref<2x400x80xf32, #tpu.memory_space<vmem>>, vector<1x400x1xf32>
    %get3A_33 = vector.shape_cast %get3A_32 : vector<1x400x1xf32> to vector<400x1xf32>
    %add3A_34 = arith.addf %get3A_33, %broadcast_in_dim3A : vector<400x1xf32>
    %get3A_35 = arith.constant 0 : index
    %get3A_36 = arith.constant 0 : index
    %get3A_37 = vector.load %arg4[%get3A_35, %get3A_36] : memref<128x256xf32, #tpu.memory_space<vmem>>, vector<128x256xf32>
    %dot_general3A = arith.constant dense<0.000000e+00> : vector<400x256xf32>
    %dot_general3A_38 = tpu.matmul %concatenate3A, %get3A_37, %dot_general3A {dimension_numbers = #tpu.dot_dimension_numbers<[1], [0], [0], [1], [0, 0, 1, 1], [], []>, transpose_lhs_hint = false} : vector<400x128xf32>, vector<128x256xf32>, vector<400x256xf32> -> vector<400x256xf32>
    %get3A_39 = arith.constant 0 : index
    %get3A_40 = arith.constant 0 : index
    %get3A_41 = vector.load %arg5[%get3A_39, %get3A_40] : memref<1x256xf32, #tpu.memory_space<vmem>>, vector<1x256xf32>
    %mul3A_42 = vector.broadcast %add3A_34 : vector<400x1xf32> to vector<400x256xf32>
    %mul3A_43 = vector.broadcast %get3A_41 : vector<1x256xf32> to vector<400x256xf32>
    %mul3A_44 = arith.mulf %mul3A_42, %mul3A_43 : vector<400x256xf32>
    %add3A_45 = arith.addf %dot_general3A_38, %mul3A_44 : vector<400x256xf32>
    %mul3A_46 = vector.broadcast %broadcast_in_dim3A : vector<400x1xf32> to vector<400x256xf32>
    %mul3A_47 = arith.mulf %add3A_45, %mul3A_46 : vector<400x256xf32>
    %max3A = arith.constant 0.000000e+00 : f32
    %max3A_48 = vector.broadcast %max3A : f32 to vector<400x256xf32>
    %max3A_49 = arith.maximumf %mul3A_47, %max3A_48 : vector<400x256xf32>
    %get3A_50 = arith.constant 0 : index
    %get3A_51 = arith.constant 0 : index
    %get3A_52 = vector.load %arg6[%get3A_50, %get3A_51] : memref<256x64xf32, #tpu.memory_space<vmem>>, vector<256x64xf32>
    %dot_general3A_53 = arith.constant dense<0.000000e+00> : vector<400x64xf32>
    %dot_general3A_54 = tpu.matmul %max3A_49, %get3A_52, %dot_general3A_53 {dimension_numbers = #tpu.dot_dimension_numbers<[1], [0], [0], [1], [0, 0, 1, 1], [], []>, transpose_lhs_hint = false} : vector<400x256xf32>, vector<256x64xf32>, vector<400x64xf32> -> vector<400x64xf32>
    %get3A_55 = arith.constant 0 : index
    %get3A_56 = arith.constant 0 : index
    %get3A_57 = vector.load %arg7[%get3A_55, %get3A_56] : memref<1x64xf32, #tpu.memory_space<vmem>>, vector<1x64xf32>
    %add3A_58 = vector.broadcast %get3A_57 : vector<1x64xf32> to vector<400x64xf32>
    %add3A_59 = arith.addf %dot_general3A_54, %add3A_58 : vector<400x64xf32>
    %mul3A_60 = vector.broadcast %broadcast_in_dim3A : vector<400x1xf32> to vector<400x64xf32>
    %mul3A_61 = arith.mulf %add3A_59, %mul3A_60 : vector<400x64xf32>
    %swap3A = arith.constant 0 : index
    %swap3A_62 = arith.constant 0 : index
    %swap3A_63 = vector.load %arg8[%swap3A, %swap3A_62] : memref<400x64xf32, #tpu.memory_space<vmem>>, vector<400x64xf32>
    tpu.vector_store %arg8[%swap3A, %swap3A_62], %mul3A_61 {strides = array<i32>} : memref<400x64xf32, #tpu.memory_space<vmem>>, vector<400x64xf32>,
    return
  }
  func.func @transform_0(%arg0: i32) -> (i32, i32, i32) {
    %c0_i32 = arith.constant 0 : i32
    %c0_i32_0 = arith.constant 0 : i32
    %c0_i32_1 = arith.constant 0 : i32
    return %c0_i32, %arg0, %c0_i32_0 : i32, i32, i32
  }
  func.func @transform_1(%arg0: i32) -> (i32, i32) {
    %c0_i32 = arith.constant 0 : i32
    %c0_i32_0 = arith.constant 0 : i32
    return %arg0, %c0_i32 : i32, i32
  }
  func.func @transform_2(%arg0: i32) -> (i32, i32, i32) {
    %c0_i32 = arith.constant 0 : i32
    %c0_i32_0 = arith.constant 0 : i32
    %c0_i32_1 = arith.constant 0 : i32
    return %c0_i32, %arg0, %c0_i32_0 : i32, i32, i32
  }
  func.func @transform_3(%arg0: i32) -> (i32, i32) {
    %c0_i32 = arith.constant 0 : i32
    %c0_i32_0 = arith.constant 0 : i32
    %c0_i32_1 = arith.constant 0 : i32
    return %c0_i32, %c0_i32_0 : i32, i32
  }
  func.func @transform_4(%arg0: i32) -> (i32, i32) {
    %c0_i32 = arith.constant 0 : i32
    %c0_i32_0 = arith.constant 0 : i32
    %c0_i32_1 = arith.constant 0 : i32
    return %c0_i32, %c0_i32_0 : i32, i32
  }
  func.func @transform_5(%arg0: i32) -> (i32, i32) {
    %c0_i32 = arith.constant 0 : i32
    %c0_i32_0 = arith.constant 0 : i32
    %c0_i32_1 = arith.constant 0 : i32
    return %c0_i32, %c0_i32_0 : i32, i32
  }
  func.func @transform_6(%arg0: i32) -> (i32, i32) {
    %c0_i32 = arith.constant 0 : i32
    %c0_i32_0 = arith.constant 0 : i32
    %c0_i32_1 = arith.constant 0 : i32
    return %c0_i32, %c0_i32_0 : i32, i32
  }
  func.func @transform_7(%arg0: i32) -> (i32, i32) {
    %c0_i32 = arith.constant 0 : i32
    %c0_i32_0 = arith.constant 0 : i32
    return %arg0, %c0_i32 : i32, i32
  }
}

module attributes {stable_mosaic.version = 14 : i64} {
  func.func @_tc3_body(%arg0: i32, %arg1: memref<2x400x64xf32, #tpu.memory_space<vmem>>, %arg2: memref<400x64xf32, #tpu.memory_space<vmem>>, %arg3: memref<2x400x16xf32, #tpu.memory_space<vmem>>, %arg4: memref<400x64xf32, #tpu.memory_space<vmem>>) attributes {dimension_semantics = [#tpu.dimension_semantics<arbitrary>], iteration_bounds = array<i64: 25>, scalar_prefetch = 0 : i64, scratch_operands = 0 : i64, tpu.core_type = #tpu.core_type<tc>, window_params = [{transform_indices = @transform_0, window_bounds = array<i64: 2, 400, 64>}, {transform_indices = @transform_1, window_bounds = array<i64: 400, 64>}, {transform_indices = @transform_2, window_bounds = array<i64: 2, 400, 16>}, {transform_indices = @transform_3, window_bounds = array<i64: 400, 64>}]} {
    %get3A = arith.constant 0 : index
    %get3A_0 = arith.constant 0 : index
    %get3A_1 = arith.constant 0 : index
    %get3A_2 = vector.load %arg3[%get3A, %get3A_0, %get3A_1] : memref<2x400x16xf32, #tpu.memory_space<vmem>>, vector<1x400x1xf32>
    %get3A_3 = vector.shape_cast %get3A_2 : vector<1x400x1xf32> to vector<400xf32>
    %add3A = arith.constant 1.000000e+00 : f32
    %add3A_4 = vector.broadcast %add3A : f32 to vector<400xf32>
    %add3A_5 = arith.addf %add3A_4, %get3A_3 : vector<400xf32>
    %get3A_6 = arith.constant 1 : index
    %get3A_7 = arith.constant 0 : index
    %get3A_8 = arith.constant 0 : index
    %get3A_9 = vector.load %arg3[%get3A_6, %get3A_7, %get3A_8] : memref<2x400x16xf32, #tpu.memory_space<vmem>>, vector<1x400x1xf32>
    %get3A_10 = vector.shape_cast %get3A_9 : vector<1x400x1xf32> to vector<400xf32>
    %add3A_11 = arith.addf %add3A_5, %get3A_10 : vector<400xf32>
    %rsqrt3A = math.rsqrt %add3A_11 : vector<400xf32>
    %broadcast_in_dim3A = vector.shape_cast %rsqrt3A : vector<400xf32> to vector<400x1xf32>
    %get3A_12 = arith.constant 0 : index
    %get3A_13 = arith.constant 0 : index
    %get3A_14 = arith.constant 0 : index
    %get3A_15 = vector.load %arg1[%get3A_12, %get3A_13, %get3A_14] : memref<2x400x64xf32, #tpu.memory_space<vmem>>, vector<1x400x64xf32>
    %get3A_16 = vector.shape_cast %get3A_15 : vector<1x400x64xf32> to vector<400x64xf32>
    %get3A_17 = arith.constant 1 : index
    %get3A_18 = arith.constant 0 : index
    %get3A_19 = arith.constant 0 : index
    %get3A_20 = vector.load %arg1[%get3A_17, %get3A_18, %get3A_19] : memref<2x400x64xf32, #tpu.memory_space<vmem>>, vector<1x400x64xf32>
    %get3A_21 = vector.shape_cast %get3A_20 : vector<1x400x64xf32> to vector<400x64xf32>
    %add3A_22 = arith.addf %get3A_16, %get3A_21 : vector<400x64xf32>
    %get3A_23 = arith.constant 0 : index
    %get3A_24 = arith.constant 0 : index
    %get3A_25 = vector.load %arg2[%get3A_23, %get3A_24] : memref<400x64xf32, #tpu.memory_space<vmem>>, vector<400x64xf32>
    %add3A_26 = arith.addf %add3A_22, %get3A_25 : vector<400x64xf32>
    %mul3A = vector.broadcast %broadcast_in_dim3A : vector<400x1xf32> to vector<400x64xf32>
    %mul3A_27 = arith.mulf %add3A_26, %mul3A : vector<400x64xf32>
    %swap3A = arith.constant 0 : index
    %swap3A_28 = arith.constant 0 : index
    %swap3A_29 = vector.load %arg4[%swap3A, %swap3A_28] : memref<400x64xf32, #tpu.memory_space<vmem>>, vector<400x64xf32>
    tpu.vector_store %arg4[%swap3A, %swap3A_28], %mul3A_27 {strides = array<i32>} : memref<400x64xf32, #tpu.memory_space<vmem>>, vector<400x64xf32>,
    return
  }
  func.func @transform_0(%arg0: i32) -> (i32, i32, i32) {
    %c0_i32 = arith.constant 0 : i32
    %c0_i32_0 = arith.constant 0 : i32
    %c0_i32_1 = arith.constant 0 : i32
    return %c0_i32, %arg0, %c0_i32_0 : i32, i32, i32
  }
  func.func @transform_1(%arg0: i32) -> (i32, i32) {
    %c0_i32 = arith.constant 0 : i32
    %c0_i32_0 = arith.constant 0 : i32
    return %arg0, %c0_i32 : i32, i32
  }
  func.func @transform_2(%arg0: i32) -> (i32, i32, i32) {
    %c0_i32 = arith.constant 0 : i32
    %c0_i32_0 = arith.constant 0 : i32
    %c0_i32_1 = arith.constant 0 : i32
    return %c0_i32, %arg0, %c0_i32_0 : i32, i32, i32
  }
  func.func @transform_3(%arg0: i32) -> (i32, i32) {
    %c0_i32 = arith.constant 0 : i32
    %c0_i32_0 = arith.constant 0 : i32
    return %arg0, %c0_i32 : i32, i32
  }
}

</mosaic_0001>

<sc_bundles>
// kernel: kernel.11.cloned.1.call-start
scs
__scs_entry_jumppad:
0x0: {  	(pc) =	sbr.rel $0x88, $3  }
0x1: {  	(tag) =	ssettag $0x0;
	lr =	simm.s32 $0x1  }
0x2: {  	[smem:$0x3F9B] =	sst lr;
	_ =	strace $0xD0000000  }
0x3: {  	_ = 	snop  }
0x4: {  	_ = 	snop  }
0x5: {  	_ = 	snop  }
0x6: {  	_ = 	snop  }
0x7: {  	_ = 	snop  }
__scs_overlays_trampoline_lowered:
0x8: {  	[smem:$0x3FAA] =	sst s0  }
0x9: {  	[smem:$0x3FAB] =	sst s1  }
0xa: {  	[smem:$0x3FAC] =	sst s2  }
0xb: {  	[smem:$0x3FAD] =	sst s3  }
0xc: {  	[smem:$0x3FAE] =	sst s4  }
0xd: {  	[smem:$0x3FAF] =	sst s5  }
0xe: {  	[smem:$0x3FB0] =	sst s6  }
0xf: {  	[smem:$0x3FB1] =	sst s7  }
0x10: {  	[smem:$0x3FB2] =	sst s8  }
0x11: {  	[smem:$0x3FB3] =	sst s9;
	s0 =	simm.s32 @!p0 $0x0  }
0x12: {  	s1 =	sld [smem:$0x3F99];
	s0 =	simm.s32 @p0 $0x1  }
0x13: {  	[smem:$0x3FB4] =	sst s0;
	s0 =	simm.s32 @!p1 $0x0  }
0x14: {  	s2 =	sld [smem:$0x3F98];
	s0 =	simm.s32 @p1 $0x1  }
0x15: {  	[smem:$0x3FB5] =	sst s0;
	s0 =	simm.s32 @!p2 $0x0  }
0x16: {  	s3 =	sld [smem:$0x3FDB];
	s0 =	simm.s32 @p2 $0x1  }
0x17: {  	s4 =	simm.s32 $0x1BF5;
	[smem:$0x3FB7] =	sst s0  }
0x18: {  	s0 =	sld [smem:$0x3F9A];
	_ =	swait.ge [sflag:s4], $0x0  }
0x19: {  	s7 =	sld [smem:$0x3F9B]  }
0x1a: {  	s8 =	sadd.s32 $0xFFFFE003, lr  }
0x1b: {  	s9 =	sadd.s32 $0xFFFFFEF7, lr;
	s5 =	simm.s32 $0xFFFFFFFF;
	p2 =	slt.u32 s8, $0xFFFFF086  }
0x1c: {  	p1 =	slt.u32 s9, $0xF7A;
	s5 =	simm.s32 @!p2 $0x0  }
0x1d: {  	s5 =	simm.s32 @p1 $0x1;
	p0 =	seq.s32 s7, s2  }
0x1e: {  	s7 =	smul.u32 @!p0 $0xF7A, s2;
	p2 =	seq.s32 @!p0 s5, $0x0  }
0x1f: {  	s9 =	smul.u32 $0xF7A, s1;
	s8 =	simm.s32 @!p0 $0x1BF5;
	p2 =	por !p2, p0  }
0x20: {  	[sflag:s8] =	ssyncset.s32 @!p0 $0xFFFFF086;
	s6 =	sadd.s32 @!p0 s3, s7;
	s7 =	simm.s32 @!p0 $0x108  }
0x21: {  	s3 =	sadd.s32 s3, s9;
	s6 =	sadd.s32 @!p0 $0x88, s6;
	s7 =	simm.s32 @p2 $0x1082  }
0x22: {  	[simem:s7], [sflag:s8] =	dma.local @!p0 [hbm:s6], $0xF7A  }
0x23: {  	s9 =	sor.u32 $0xD0000000, s2;
	s6 =	simm.s32 $0x108;
	_ =	swait.ge @!p0 [sflag:s8], $0x0  }
0x24: {  	s3 =	sadd.s32 $0x88, s3;
	s6 =	simm.s32 @!p1 $0x1082;
	[sflag:s4] =	ssyncset.s32 $0xFFFFF086  }
0x25: {  	[simem:s6], [sflag:s4] =	dma.local [hbm:s3], $0xF7A  }
0x26: {  	[smem:$0x3F9B] =	sst s1;
	(tag) =	ssettag s2;
	_ =	strace s9  }
0x27: {  	s1 =	sld [smem:$0x3FAB]  }
0x28: {  	s2 =	sld [smem:$0x3FAC]  }
0x29: {  	s4 =	sld [smem:$0x3FAE]  }
0x2a: {  	p0 =	seq.s32 s5, $0x0;
	s5 =	sld [smem:$0x3FAF]  }
0x2b: {  	s6 =	sld [smem:$0x3FB0]  }
0x2c: {  	s7 =	sld [smem:$0x3FB1]  }
0x2d: {  	s3 =	simm.s32 $0x108;
	s8 =	sld [smem:$0x3FB2]  }
0x2e: {  	s3 =	simm.s32 @!p0 $0x1082;
	s9 =	sld [smem:$0x3FB3]  }
0x2f: {  	lr =	sadd.s32 s0, s3;
	s0 =	sld [smem:$0x3FAA]  }
0x30: {  	s3 =	sld [smem:$0x3FAD]  }
0x31: {  	[smem:$0x3FB6] =	sst s10  }
0x32: {  	s10 =	sld [smem:$0x3FB4];
	_ =	sdelay $0x3  }
0x33: {  	p0 =	seq.s32 s10, $0x1;
	s10 =	sld [smem:$0x3FB6];
	_ =	sdelay $0x3  }
0x34: {  	[smem:$0x3FB6] =	sst s10  }
0x35: {  	s10 =	sld [smem:$0x3FB5];
	_ =	sdelay $0x3  }
0x36: {  	p1 =	seq.s32 s10, $0x1;
	s10 =	sld [smem:$0x3FB6];
	_ =	sdelay $0x3  }
0x37: {  	[smem:$0x3FB6] =	sst s10  }
0x38: {  	s10 =	sld [smem:$0x3FB7]  }
0x39: {  	_ = 	snop;
	(pc) =	sbr.ind lr, $3  }
0x3a: {  	_ = 	snop  }
0x3b: {  	_ = 	snop  }
0x3c: {  	p2 =	seq.s32 s10, $0x1;
	s10 =	sld [smem:$0x3FB6]  }
0x3d: {  	_ =	shalt  }
0x3e: {  	_ =	shalt  }
0x3f: {  	_ =	shalt  }
0x40: {  	_ =	shalt  }
0x41: {  	_ =	shalt  }
0x42: {  	_ =	shalt  }
0x43: {  	_ =	shalt  }
0x44: {  	_ =	shalt  }
0x45: {  	_ =	shalt  }
0x46: {  	_ =	shalt  }
0x47: {  	_ =	shalt  }
0x48: {  	_ =	shalt  }
0x49: {  	_ =	shalt  }
0x4a: {  	_ =	shalt  }
0x4b: {  	_ =	shalt  }
0x4c: {  	_ =	shalt  }
0x4d: {  	_ =	shalt  }
0x4e: {  	_ =	shalt  }
0x4f: {  	_ =	shalt  }
0x50: {  	_ =	shalt  }
0x51: {  	_ =	shalt  }
0x52: {  	_ =	shalt  }
0x53: {  	_ =	shalt  }
0x54: {  	_ =	shalt  }
0x55: {  	_ =	shalt  }
0x56: {  	_ =	shalt  }
0x57: {  	_ =	shalt  }
0x58: {  	_ =	shalt  }
0x59: {  	_ =	shalt  }
0x5a: {  	_ =	shalt  }
0x5b: {  	_ =	shalt  }
0x5c: {  	_ =	shalt  }
0x5d: {  	_ =	shalt  }
0x5e: {  	_ =	shalt  }
0x5f: {  	_ =	shalt  }
0x60: {  	_ =	shalt  }
0x61: {  	_ =	shalt  }
0x62: {  	_ =	shalt  }
0x63: {  	_ =	shalt  }
0x64: {  	_ =	shalt  }
0x65: {  	_ =	shalt  }
0x66: {  	_ =	shalt  }
0x67: {  	_ =	shalt  }
0x68: {  	_ =	shalt  }
0x69: {  	_ =	shalt  }
0x6a: {  	_ =	shalt  }
0x6b: {  	_ =	shalt  }
0x6c: {  	_ =	shalt  }
0x6d: {  	_ =	shalt  }
0x6e: {  	_ =	shalt  }
0x6f: {  	_ =	shalt  }
0x70: {  	_ =	shalt  }
0x71: {  	_ =	shalt  }
0x72: {  	_ =	shalt  }
0x73: {  	_ =	shalt  }
0x74: {  	_ =	shalt  }
0x75: {  	_ =	shalt  }
0x76: {  	_ =	shalt  }
0x77: {  	_ =	shalt  }
0x78: {  	_ =	shalt  }
0x79: {  	_ =	shalt  }
0x7a: {  	_ =	shalt  }
0x7b: {  	_ =	shalt  }
0x7c: {  	_ =	shalt  }
0x7d: {  	_ =	shalt  }
0x7e: {  	_ =	shalt  }
0x7f: {  	_ =	shalt  }
0x80: {  	_ =	shalt  }
0x81: {  	_ =	shalt  }
0x82: {  	_ =	shalt  }
0x83: {  	_ =	shalt  }
0x84: {  	_ =	shalt  }
0x85: {  	_ =	shalt  }
0x86: {  	_ =	shalt  }
0x87: {  	_ =	shalt  }
.Lfunc_end0:
.L_simem_size_0:
called_computation.1_lowered:
.L_overlay_start_0:
0x88: {  	s2 =	sld [smem:$0x3FD9]  }
0x89: {  	s3 =	sld [smem:$0x3FFE];
	_ =	sdelay $0x1  }
0x8a: {  	s1 =	srdreg.scid  }
0x8b: {  	s0 =	sand.u32 $0x1, s1  }
0x8c: {  	s17 =	sshll.u32 s0, $0xA;
	s2 =	sadd.s32 s3, s2  }
0x8d: {  	s2 =	sadd.s32 s2, s17  }
0x8e: {  	[smem:$0x3FC2] =	sst s2  }
0x8f: {  	_ = 	snop  }
0x90: {  	s2 =	sld [smem:$0x3FD0];
	(tm) =	ssettm $0x1  }
0x91: {  	s18 =	sld [smem:$0x3FFB];
	_ =	sdelay $0x3  }
0x92: {  	_ =	strace s18  }
0x93: {  	s3 =	sld [smem:$0x3FFC];
	_ =	sdelay $0x3  }
0x94: {  	_ =	strace s3  }
0x95: {  	s3 =	sld [smem:$0x3FFD];
	_ =	sdelay $0x3  }
0x96: {  	_ =	strace s3  }
0x97: {  	_ =	strace $0x8FFFFFFF  }
0x98: {  	s19 =	sld [smem:$0x3FDB];
	_ =	sdelay $0x1  }
0x99: {  	s4 =	simm.s32 $_scs_section_size  }
0x9a: {  	s5 =	simm.s32 $_size__tile_overlayer_lowered;
	s6 =	simm.s32 $_tile_overlayer_lowered  }
0x9b: {  	s22 =	simm.s32 $0x1BFF;
	s21 =	sshll.u32 s6, $0x1;
	s3 =	sadd.s32 s4, s19  }
0x9c: {  	s7 =	simm.s32 $0x0;
	s20 =	sshll.u32 s5, $0x1;
	s5 =	sadd.s32 s21, s3  }
0x9d: {  	[timem:s7], [sflag:s22] =	dma.local [hbm:s5], s20  }
0x9e: {  	_ =	swait.ge [sflag:s22], s20  }
0x9f: {  	s4 =	ssub.s32 $0x0, s20;
	[sflag:s22] =	ssyncset.done $0x0  }
0xa0: {  	[sflag:s22] =	ssyncadd.s32 s4;
	_ =	sdelay $0x1  }
0xa1: {  	s23 =	simm.s32 $0x1B8B  }
0xa2: {  	_ =	swait.ge [sflag:s23], $0x1  }
0xa3: {  	[sflag:s23] =	ssyncset.done $0x0  }
0xa4: {  	s25 =	simm.s32 $0x1B8E;
	s24 =	sld [smem:$0x3FFE];
	[sflag:s23] =	ssyncadd.s32 $0xFFFFFFFF  }
0xa5: {  	s26 =	simm.s32 $execute0_lowered;
	[smem:$0x3FD2] =	sst s25  }
0xa6: {  	s5 =	sshll.u32 s26, $0x1;
	_ =	strace $0x80000049;
	[dreg:$0x1] =	wrdreg $0xFFFFFFFF  }
0xa7: {  	s28 =	simm.s32 $_size_execute0_lowered;
	s3 =	sadd.s32 s3, s5;
	[dreg:$0x0] =	wrdreg $0x0  }
0xa8: {  	s5 =	sshll.u32 s28, $0x1;
	[dreg:$0x2] =	wrdreg s3  }
0xa9: {  	[dreg:$0x3] =	wrdreg s5  }
0xaa: {  	[dreg:$0x4] =	wrdreg $0xC0  }
0xab: {  	_ =	task [dreg:s7], $0x5FFFF  }
0xac: {  	[dreg:$0x1] =	wrdreg $0xFFFFFFFF  }
0xad: {  	[dreg:$0x0] =	wrdreg $0x60  }
0xae: {  	[dreg:$0x2] =	wrdreg s24  }
0xaf: {  	[dreg:$0x3] =	wrdreg s2  }
0xb0: {  	[dreg:$0x4] =	wrdreg $0x115000  }
0xb1: {  	[dreg:$0x5] =	wrdreg $0x9  }
0xb2: {  	_ =	task.clear_ibuf [dreg:s7], $0x6FFFF;
	_ =	strace $0x90000049  }
0xb3: {  	s29 =	simm.s32 $0x9;
	_ =	strace $0x8000004B  }
0xb4: {  	_ =	swait.ge [sflag:s29], $0x1  }
0xb5: {  	[sflag:s29] =	ssyncadd.s32 $0xFFFFFFFF  }
0xb6: {  	_ =	strace $0x9000004B  }
0xb7: {  	_ =	sfence  }
0xb8: {  	s30 =	sld [smem:$0x0];
	_ =	sdelay $0x2  }
0xb9: {  	s31 =	sshll.u32 s1, $0xD;
	s1 =	sshrl.u32 s1, $0x2  }
0xba: {  	s3 =	sand.u32 $0x4000, s31;
	s1 =	sadd.s32 s1, s30  }
0xbb: {  	s0 =	sor.u32 s3, s0;
	s1 =	sshll.u32 s1, $0x11  }
0xbc: {  	s0 =	sor.u32 s1, s0  }
0xbd: {  	s0 =	sadd.s32 $0x8F2B, s0  }
0xbe: {  	[sflag:s0] =	ssyncadd.remote.s32 $0x1  }
0xbf: {  	_ =	sfence.sel $0xFFFF  }
0xc0: {  	[dreg:$0x0] =	wrdreg $0xFFFFFFFF;
	(pc) =	sbr.abs _section_cstart, $3  }
0xc1: {  	[dreg:$0x1] =	wrdreg $0xFFFFFFFF  }
0xc2: {  	_ =	task.clear_ibuf [dreg:s7], $0x2FFFF;
	_ =	strace $0x9FFFFFFF  }
0xc3: {  	(tm) =	ssettm $0x7FFFFFFF  }
tec
execute0_lowered:
.L_overlay_start_1:
0x0: {  	(tag) =	ssettag $0x1  }
0x1: {  	s5 =	rddreg [dreg:$0x0]  }
0x2: {  	s7 =	rddreg [dreg:$0x1]  }
0x3: {  	s2 =	rddreg [dreg:$0x2]  }
0x4: {  	s0 =	rddreg [dreg:$0x3]  }
0x5: {  	s1 =	stileid.u32;
	s4 =	srdreg.scid;
	s3 =	simm.s32 $0x0  }
0x6: {  	s15 =	simm.s32 $0xC500;
	s16 =	simm.s32 $0x3;
	s17 =	simm.s32 $0xED00  }
0x7: {  	s18 =	simm.s32 $0x2;
	s19 =	simm.s32 $0x1;
	s6 =	smul.u32 $0x4E80, s1  }
0x8: {  	s20 =	simm.s32 $0x0;
	s8 =	smul.u32 $0xC800, s1;
	s9 =	sand.u32 $0x1, s4  }
0x9: {  	[smem:$0x7FF] =	sst s3;
	s4 =	sadd.s32 $0x74000, s5;
	s31 =	sshll.u32 s1, $0x6  }
0xa: {  	s10 =	smul.u32 $0xC8000, s9;
	_ =	strace $0x8000004A;
	s13 =	ssub.s32 $0x2, s9  }
0xb: {  	s9 =	smul.u32 $0x4E800, s9;
	s11 =	sshrl.u32 s6, $0x3;
	s12 =	sshrl.u32 s8, $0x3  }
0xc: {  	s30 =	sshrl.u32 s13, $0x1;
	s14 =	sadd.s32 s8, s2;
	s11 =	sadd.s32 s11, s5  }
0xd: {  	s10 =	sadd.s32 s8, s10;
	s12 =	sadd.s32 s12, s5;
	s13 =	ssub.s32 s13, s30  }
.Ltmp0:
0xe: {  	s6 =	sadd.s32 s6, s9;
	s10 =	sshrl.u32 s10, $0x3;
	(pc) =	sbr.rel .LBB2_1-.Ltmp0, $4  }
0xf: {  	s9 =	sshrl.u32 s6, $0x3;
	s6 =	sor.u32 $0x1C04, s31;
	s8 =	sadd.s32 $0x1A200, s11  }
0x10: {  	s11 =	sshrl.u32 s14, $0x3;
	s14 =	simm.s32 $0x9D00;
	s10 =	sadd.s32 s10, s5  }
0x11: {  	s5 =	sadd.s32 $0xA4E00, s12;
	s7 =	sadd.s32 s7, s9;
	s12 =	simm.s32 $0x4  }
0x12: {  	s9 =	sadd.s32 $0xBDE00, s10;
	s10 =	smax.u32 s13, $0x1;
	s13 =	simm.s32 $0x80  }
.LBB2_8:
0x13: {  	s20 =	sadd.s32 $0x1, s20  }
0x14: {  	p0 =	sne.s32 s20, s10  }
.Ltmp1:
0x15: {  	[bflag:$0x0] =	sbarrier.arrive $0xFFFF;
	(pc) =	sbr.rel @!p0 .LBB2_9-.Ltmp1, $4  }
0x16: {  	[hbm:s9], [sflag:s6] =	dma.local [spmem:s11], $0x1900  }
0x17: {  	_ =	swait.ge [sflag:s12], $0x1900  }
0x18: {  	[sflag:s12] =	ssyncset.done $0x0  }
0x19: {  	[sflag:s12] =	ssyncadd.s32 $0xFFFFE700  }
.LBB2_1:
0x1a: {  	[spmem:s11], [sflag:s6] =	dma.local [hbm:s5], $0x1900  }
0x1b: {  	_ =	swait.ge [sflag:s12], $0x1900  }
0x1c: {  	[sflag:s12] =	ssyncset.done $0x0  }
0x1d: {  	[sflag:s12] =	ssyncadd.s32 $0xFFFFE700  }
0x1e: {  	[tilespmem:s3], [sflag:$0x4] =	stream.linear.gather [hbm4b:s7+s3], $0x4E80, $0x38;
	[tilespmem:$0x1DD00] =	vst v63  }
0x1f: {  	_ =	swait.ge [sflag:s12], $0x4E80  }
0x20: {  	[sflag:s12] =	ssyncset.done $0x0  }
0x21: {  	s21 =	simm.s32 $0x4E80;
	[sflag:s12] =	ssyncadd.s32 $0xFFFFB180  }
0x22: {  	[tilespmem:s21], [sflag:$0x4] =	stream.linear.gather [hbm4b:s8+s3], $0x4E80, $0x38;
	[tilespmem:$0x1DD00] =	vst v63  }
0x23: {  	_ =	swait.ge [sflag:s12], $0x4E80  }
0x24: {  	[sflag:s12] =	ssyncset.done $0x0  }
.Ltmp2:
0x25: {  	[sflag:s12] =	ssyncadd.s32 $0xFFFFB180;
	(pc) =	sbr.rel .LBB2_2-.Ltmp2, $4  }
0x26: {  	[bflag:$0x0] =	sbarrier.arrive $0xFFFF  }
0x27: {  	[tilespmem:s14], [sflag:$0x1] =	stream.indirect.gather [hbm4b:s4+s13], $0x50, s3, s13, $0xb8;
	[tilespmem:$0x1DD00] =	vst v63  }
0x28: {  	s22 =	simm.s32 $0x100;
	s23 =	simm.s32 $0x0  }
0x29: {  	[tilespmem:s15], [sflag:$0x2] =	stream.indirect.gather [hbm4b:s4+s13], $0x50, s13, s13, $0xb8;
	[tilespmem:$0x1DD00] =	vst v63  }
.LBB2_6:
0x2a: {  	_ =	swait.ge [sflag:s16], $0x2800  }
0x2b: {  	p0 =	sgt.u32 s23, $0x9A;
	[sflag:s16] =	ssyncset.done $0x0  }
0x2c: {  	s24 =	simm.s32 @!p0 $0x80;
	s25 =	simm.s32 @!p0 $0xC500;
	[sflag:s16] =	ssyncadd.s32 $0xFFFFD800  }
0x2d: {  	[tilespmem:s25], [sflag:$0x2] =	stream.indirect.gather @!p0 [hbm4b:s4+s24], $0x50, s22, s24, $0xb8;
	[tilespmem:$0x1DD00] =	vst v63  }
0x2e: {  	s24 =	simm.s32 $0x4  }
0x2f: {  	[spmem:s2] =	stream.indirect.scatter.add.f32 [tilespmem:s17], [sflag:$0x4], $0x50, s21, s13, $0xb8;
	[tilespmem:$0x1DD00] =	vst v63  }
.LBB2_7:
0x30: {  	s23 =	sadd.s32 $0x1, s23  }
0x31: {  	p0 =	sne.s32 s23, $0x9D  }
.Ltmp3:
0x32: {  	_ = 	snop;
	(pc) =	sbr.rel @!p0 .LBB2_8-.Ltmp3, $4  }
0x33: {  	_ = 	snop  }
0x34: {  	_ =	swait.ge [sflag:s24], $0x2800  }
0x35: {  	[sflag:s24] =	ssyncset.done $0x0  }
0x36: {  	s22 =	sadd.s32 $0x80, s22;
	s21 =	sadd.s32 $0x80, s21;
	[sflag:s24] =	ssyncadd.s32 $0xFFFFD800  }
.LBB2_2:
0x37: {  	s24 =	smul.u32 $0xAB, s23;
	_ =	sdelay $0x1  }
0x38: {  	s24 =	sshrl.u32 s24, $0x9  }
0x39: {  	s24 =	sand.u32 $0x7F, s24  }
0x3a: {  	s24 =	smul.u32 $0x3, s24;
	_ =	sdelay $0x1  }
0x3b: {  	s24 =	ssub.s32 s23, s24  }
0x3c: {  	s24 =	sand.u32 $0xFF, s24  }
0x3d: {  	p0 =	seq.s32 s24, $0x2  }
.Ltmp4:
0x3e: {  	_ = 	snop;
	(pc) =	sbr.rel @p0 .LBB2_6-.Ltmp4, $1  }
0x3f: {  	_ =	sdelay $0x3  }
0x40: {  	p0 =	seq.s32 s24, $0x1  }
.Ltmp5:
0x41: {  	_ = 	snop;
	(pc) =	sbr.rel @!p0 .LBB2_4-.Ltmp5, $1  }
0x42: {  	_ =	sdelay $0x3  }
0x43: {  	_ =	swait.ge [sflag:s18], $0x2800  }
.Ltmp6:
0x44: {  	p0 =	sgt.u32 s23, $0x9A;
	[sflag:s18] =	ssyncset.done $0x0;
	(pc) =	sbr.rel .LBB2_7-.Ltmp6, $4  }
0x45: {  	s24 =	simm.s32 @!p0 $0x80;
	s25 =	simm.s32 @!p0 $0x9D00;
	[sflag:s18] =	ssyncadd.s32 $0xFFFFD800  }
0x46: {  	[tilespmem:s25], [sflag:$0x1] =	stream.indirect.gather @!p0 [hbm4b:s4+s24], $0x50, s22, s24, $0xb8;
	[tilespmem:$0x1DD00] =	vst v63  }
0x47: {  	s24 =	simm.s32 $0x5  }
0x48: {  	[spmem:s2] =	stream.indirect.scatter.add.f32 [tilespmem:s15], [sflag:$0x5], $0x50, s21, s13, $0xb8;
	[tilespmem:$0x1DD00] =	vst v63  }
.LBB2_4:
0x49: {  	_ =	swait.ge [sflag:s19], $0x2800  }
.Ltmp7:
0x4a: {  	p0 =	sgt.u32 s23, $0x9A;
	[sflag:s19] =	ssyncset.done $0x0;
	(pc) =	sbr.rel .LBB2_7-.Ltmp7, $4  }
0x4b: {  	s24 =	simm.s32 @!p0 $0x80;
	s25 =	simm.s32 @!p0 $0xED00;
	[sflag:s19] =	ssyncadd.s32 $0xFFFFD800  }
0x4c: {  	[tilespmem:s25], [sflag:$0x3] =	stream.indirect.gather @!p0 [hbm4b:s4+s24], $0x50, s22, s24, $0xb8;
	[tilespmem:$0x1DD00] =	vst v63  }
0x4d: {  	s24 =	simm.s32 $0x5  }
0x4e: {  	[spmem:s2] =	stream.indirect.scatter.add.f32 [tilespmem:s14], [sflag:$0x5], $0x50, s21, s13, $0xb8;
	[tilespmem:$0x1DD00] =	vst v63  }
.LBB2_9:
0x4f: {  	_ =	sfence.sel $0x180000  }
0x50: {  	[bflag:$0x0] =	sbarrier.arrive $0xFFFF  }
0x51: {  	p0 =	sne.s32 s1, $0x0;
	_ =	strace $0x9000004A  }
0x52: {  	s0 =	sadd.s32 @!p0 $0x100000, s0;
	[bflag:$0x2] =	sbarrier.arrive $0xFFFF  }
0x53: {  	[sflag:s0] =	ssyncadd.tile.s32 @!p0 $0x1;
	_ =	shalt  }
.Lfunc_end2:
_tile_overlayer_lowered:
.L_overlay_start_2:
0x54: {  	(tag) =	ssettag $0x2  }
0x55: {  	s0 =	rddreg [dreg:$0x0];
	s2 =	stileid.u32  }
0x56: {  	s1 =	rddreg [dreg:$0x1];
	p0 =	sne.s32 s2, $0x0  }
0x57: {  	s3 =	rddreg [dreg:$0x2];
	[bflag:$0x3] =	sbarrier.arrive $0xFFFF;
	s2 =	simm.s32 @!p0 $0x1C04  }
0x58: {  	[timem:s3], [sflag:s2] =	dma.local @!p0 [hbm:s0], s1  }
0x59: {  	s0 =	simm.s32 @!p0 $0x4  }
0x5a: {  	_ =	swait.ge @!p0 [sflag:s0], s1  }
0x5b: {  	s1 =	ssub.s32 @!p0 $0x0, s1;
	[sflag:s0] =	ssyncset.done @!p0 $0x0  }
0x5c: {  	[sflag:s0] =	ssyncadd.s32 @!p0 s1  }
0x5d: {  	[bflag:$0x3] =	sbarrier.arrive $0xFFFF  }
0x5e: {  	_ =	shalt  }

// kernel: kernel.14.cloned.1.call-start
scs
__scs_entry_jumppad:
0x0: {  	(pc) =	sbr.rel $0x88, $3  }
0x1: {  	(tag) =	ssettag $0x0;
	lr =	simm.s32 $0x1  }
0x2: {  	[smem:$0x3F9B] =	sst lr;
	_ =	strace $0xD0000000  }
0x3: {  	_ = 	snop  }
0x4: {  	_ = 	snop  }
0x5: {  	_ = 	snop  }
0x6: {  	_ = 	snop  }
0x7: {  	_ = 	snop  }
__scs_overlays_trampoline_lowered:
0x8: {  	[smem:$0x3FAA] =	sst s0  }
0x9: {  	[smem:$0x3FAB] =	sst s1  }
0xa: {  	[smem:$0x3FAC] =	sst s2  }
0xb: {  	[smem:$0x3FAD] =	sst s3  }
0xc: {  	[smem:$0x3FAE] =	sst s4  }
0xd: {  	[smem:$0x3FAF] =	sst s5  }
0xe: {  	[smem:$0x3FB0] =	sst s6  }
0xf: {  	[smem:$0x3FB1] =	sst s7  }
0x10: {  	[smem:$0x3FB2] =	sst s8  }
0x11: {  	[smem:$0x3FB3] =	sst s9;
	s0 =	simm.s32 @!p0 $0x0  }
0x12: {  	s1 =	sld [smem:$0x3F99];
	s0 =	simm.s32 @p0 $0x1  }
0x13: {  	[smem:$0x3FB4] =	sst s0;
	s0 =	simm.s32 @!p1 $0x0  }
0x14: {  	s2 =	sld [smem:$0x3F98];
	s0 =	simm.s32 @p1 $0x1  }
0x15: {  	[smem:$0x3FB5] =	sst s0;
	s0 =	simm.s32 @!p2 $0x0  }
0x16: {  	s3 =	sld [smem:$0x3FDB];
	s0 =	simm.s32 @p2 $0x1  }
0x17: {  	s4 =	simm.s32 $0x1BF5;
	[smem:$0x3FB7] =	sst s0  }
0x18: {  	s0 =	sld [smem:$0x3F9A];
	_ =	swait.ge [sflag:s4], $0x0  }
0x19: {  	s7 =	sld [smem:$0x3F9B]  }
0x1a: {  	s8 =	sadd.s32 $0xFFFFE003, lr  }
0x1b: {  	s9 =	sadd.s32 $0xFFFFFEF7, lr;
	s5 =	simm.s32 $0xFFFFFFFF;
	p2 =	slt.u32 s8, $0xFFFFF086  }
0x1c: {  	p1 =	slt.u32 s9, $0xF7A;
	s5 =	simm.s32 @!p2 $0x0  }
0x1d: {  	s5 =	simm.s32 @p1 $0x1;
	p0 =	seq.s32 s7, s2  }
0x1e: {  	s7 =	smul.u32 @!p0 $0xF7A, s2;
	p2 =	seq.s32 @!p0 s5, $0x0  }
0x1f: {  	s9 =	smul.u32 $0xF7A, s1;
	s8 =	simm.s32 @!p0 $0x1BF5;
	p2 =	por !p2, p0  }
0x20: {  	[sflag:s8] =	ssyncset.s32 @!p0 $0xFFFFF086;
	s6 =	sadd.s32 @!p0 s3, s7;
	s7 =	simm.s32 @!p0 $0x108  }
0x21: {  	s3 =	sadd.s32 s3, s9;
	s6 =	sadd.s32 @!p0 $0x88, s6;
	s7 =	simm.s32 @p2 $0x1082  }
0x22: {  	[simem:s7], [sflag:s8] =	dma.local @!p0 [hbm:s6], $0xF7A  }
0x23: {  	s9 =	sor.u32 $0xD0000000, s2;
	s6 =	simm.s32 $0x108;
	_ =	swait.ge @!p0 [sflag:s8], $0x0  }
0x24: {  	s3 =	sadd.s32 $0x88, s3;
	s6 =	simm.s32 @!p1 $0x1082;
	[sflag:s4] =	ssyncset.s32 $0xFFFFF086  }
0x25: {  	[simem:s6], [sflag:s4] =	dma.local [hbm:s3], $0xF7A  }
0x26: {  	[smem:$0x3F9B] =	sst s1;
	(tag) =	ssettag s2;
	_ =	strace s9  }
0x27: {  	s1 =	sld [smem:$0x3FAB]  }
0x28: {  	s2 =	sld [smem:$0x3FAC]  }
0x29: {  	s4 =	sld [smem:$0x3FAE]  }
0x2a: {  	p0 =	seq.s32 s5, $0x0;
	s5 =	sld [smem:$0x3FAF]  }
0x2b: {  	s6 =	sld [smem:$0x3FB0]  }
0x2c: {  	s7 =	sld [smem:$0x3FB1]  }
0x2d: {  	s3 =	simm.s32 $0x108;
	s8 =	sld [smem:$0x3FB2]  }
0x2e: {  	s3 =	simm.s32 @!p0 $0x1082;
	s9 =	sld [smem:$0x3FB3]  }
0x2f: {  	lr =	sadd.s32 s0, s3;
	s0 =	sld [smem:$0x3FAA]  }
0x30: {  	s3 =	sld [smem:$0x3FAD]  }
0x31: {  	[smem:$0x3FB6] =	sst s10  }
0x32: {  	s10 =	sld [smem:$0x3FB4];
	_ =	sdelay $0x3  }
0x33: {  	p0 =	seq.s32 s10, $0x1;
	s10 =	sld [smem:$0x3FB6];
	_ =	sdelay $0x3  }
0x34: {  	[smem:$0x3FB6] =	sst s10  }
0x35: {  	s10 =	sld [smem:$0x3FB5];
	_ =	sdelay $0x3  }
0x36: {  	p1 =	seq.s32 s10, $0x1;
	s10 =	sld [smem:$0x3FB6];
	_ =	sdelay $0x3  }
0x37: {  	[smem:$0x3FB6] =	sst s10  }
0x38: {  	s10 =	sld [smem:$0x3FB7]  }
0x39: {  	_ = 	snop;
	(pc) =	sbr.ind lr, $3  }
0x3a: {  	_ = 	snop  }
0x3b: {  	_ = 	snop  }
0x3c: {  	p2 =	seq.s32 s10, $0x1;
	s10 =	sld [smem:$0x3FB6]  }
0x3d: {  	_ =	shalt  }
0x3e: {  	_ =	shalt  }
0x3f: {  	_ =	shalt  }
0x40: {  	_ =	shalt  }
0x41: {  	_ =	shalt  }
0x42: {  	_ =	shalt  }
0x43: {  	_ =	shalt  }
0x44: {  	_ =	shalt  }
0x45: {  	_ =	shalt  }
0x46: {  	_ =	shalt  }
0x47: {  	_ =	shalt  }
0x48: {  	_ =	shalt  }
0x49: {  	_ =	shalt  }
0x4a: {  	_ =	shalt  }
0x4b: {  	_ =	shalt  }
0x4c: {  	_ =	shalt  }
0x4d: {  	_ =	shalt  }
0x4e: {  	_ =	shalt  }
0x4f: {  	_ =	shalt  }
0x50: {  	_ =	shalt  }
0x51: {  	_ =	shalt  }
0x52: {  	_ =	shalt  }
0x53: {  	_ =	shalt  }
0x54: {  	_ =	shalt  }
0x55: {  	_ =	shalt  }
0x56: {  	_ =	shalt  }
0x57: {  	_ =	shalt  }
0x58: {  	_ =	shalt  }
0x59: {  	_ =	shalt  }
0x5a: {  	_ =	shalt  }
0x5b: {  	_ =	shalt  }
0x5c: {  	_ =	shalt  }
0x5d: {  	_ =	shalt  }
0x5e: {  	_ =	shalt  }
0x5f: {  	_ =	shalt  }
0x60: {  	_ =	shalt  }
0x61: {  	_ =	shalt  }
0x62: {  	_ =	shalt  }
0x63: {  	_ =	shalt  }
0x64: {  	_ =	shalt  }
0x65: {  	_ =	shalt  }
0x66: {  	_ =	shalt  }
0x67: {  	_ =	shalt  }
0x68: {  	_ =	shalt  }
0x69: {  	_ =	shalt  }
0x6a: {  	_ =	shalt  }
0x6b: {  	_ =	shalt  }
0x6c: {  	_ =	shalt  }
0x6d: {  	_ =	shalt  }
0x6e: {  	_ =	shalt  }
0x6f: {  	_ =	shalt  }
0x70: {  	_ =	shalt  }
0x71: {  	_ =	shalt  }
0x72: {  	_ =	shalt  }
0x73: {  	_ =	shalt  }
0x74: {  	_ =	shalt  }
0x75: {  	_ =	shalt  }
0x76: {  	_ =	shalt  }
0x77: {  	_ =	shalt  }
0x78: {  	_ =	shalt  }
0x79: {  	_ =	shalt  }
0x7a: {  	_ =	shalt  }
0x7b: {  	_ =	shalt  }
0x7c: {  	_ =	shalt  }
0x7d: {  	_ =	shalt  }
0x7e: {  	_ =	shalt  }
0x7f: {  	_ =	shalt  }
0x80: {  	_ =	shalt  }
0x81: {  	_ =	shalt  }
0x82: {  	_ =	shalt  }
0x83: {  	_ =	shalt  }
0x84: {  	_ =	shalt  }
0x85: {  	_ =	shalt  }
0x86: {  	_ =	shalt  }
0x87: {  	_ =	shalt  }
.Lfunc_end0:
.L_simem_size_0:
called_computation.2_lowered:
.L_overlay_start_0:
0x88: {  	s2 =	sld [smem:$0x3FD9]  }
0x89: {  	s3 =	sld [smem:$0x3FFE];
	_ =	sdelay $0x1  }
0x8a: {  	s1 =	srdreg.scid  }
0x8b: {  	s0 =	sand.u32 $0x1, s1  }
0x8c: {  	s17 =	sshll.u32 s0, $0xA;
	s2 =	sadd.s32 s3, s2  }
0x8d: {  	s2 =	sadd.s32 s2, s17  }
0x8e: {  	[smem:$0x3FC2] =	sst s2  }
0x8f: {  	_ = 	snop  }
0x90: {  	s2 =	sld [smem:$0x3FD0];
	(tm) =	ssettm $0x1  }
0x91: {  	s18 =	sld [smem:$0x3FFB];
	_ =	sdelay $0x3  }
0x92: {  	_ =	strace s18  }
0x93: {  	s3 =	sld [smem:$0x3FFC];
	_ =	sdelay $0x3  }
0x94: {  	_ =	strace s3  }
0x95: {  	s3 =	sld [smem:$0x3FFD];
	_ =	sdelay $0x3  }
0x96: {  	_ =	strace s3  }
0x97: {  	_ =	strace $0x8FFFFFFF  }
0x98: {  	s19 =	sld [smem:$0x3FDB];
	_ =	sdelay $0x1  }
0x99: {  	s4 =	simm.s32 $_scs_section_size  }
0x9a: {  	s5 =	simm.s32 $_size__tile_overlayer_lowered;
	s6 =	simm.s32 $_tile_overlayer_lowered  }
0x9b: {  	s22 =	simm.s32 $0x1BFF;
	s21 =	sshll.u32 s6, $0x1;
	s3 =	sadd.s32 s4, s19  }
0x9c: {  	s7 =	simm.s32 $0x0;
	s20 =	sshll.u32 s5, $0x1;
	s5 =	sadd.s32 s21, s3  }
0x9d: {  	[timem:s7], [sflag:s22] =	dma.local [hbm:s5], s20  }
0x9e: {  	_ =	swait.ge [sflag:s22], s20  }
0x9f: {  	s4 =	ssub.s32 $0x0, s20;
	[sflag:s22] =	ssyncset.done $0x0  }
0xa0: {  	[sflag:s22] =	ssyncadd.s32 s4;
	_ =	sdelay $0x1  }
0xa1: {  	s23 =	simm.s32 $0x1B8B  }
0xa2: {  	_ =	swait.ge [sflag:s23], $0x1  }
0xa3: {  	[sflag:s23] =	ssyncset.done $0x0  }
0xa4: {  	s25 =	simm.s32 $0x1B8E;
	s24 =	sld [smem:$0x3FFE];
	[sflag:s23] =	ssyncadd.s32 $0xFFFFFFFF  }
0xa5: {  	s26 =	simm.s32 $execute0_lowered;
	[smem:$0x3FD2] =	sst s25  }
0xa6: {  	s5 =	sshll.u32 s26, $0x1;
	_ =	strace $0x8000004C;
	[dreg:$0x1] =	wrdreg $0xFFFFFFFF  }
0xa7: {  	s28 =	simm.s32 $_size_execute0_lowered;
	s3 =	sadd.s32 s3, s5;
	[dreg:$0x0] =	wrdreg $0x0  }
0xa8: {  	s5 =	sshll.u32 s28, $0x1;
	[dreg:$0x2] =	wrdreg s3  }
0xa9: {  	[dreg:$0x3] =	wrdreg s5  }
0xaa: {  	[dreg:$0x4] =	wrdreg $0xC0  }
0xab: {  	_ =	task [dreg:s7], $0x5FFFF  }
0xac: {  	[dreg:$0x1] =	wrdreg $0xFFFFFFFF  }
0xad: {  	[dreg:$0x0] =	wrdreg $0x60  }
0xae: {  	[dreg:$0x2] =	wrdreg s2  }
0xaf: {  	[dreg:$0x3] =	wrdreg s24  }
0xb0: {  	[dreg:$0x4] =	wrdreg $0x10F000  }
0xb1: {  	[dreg:$0x5] =	wrdreg $0x9  }
0xb2: {  	_ =	task.clear_ibuf [dreg:s7], $0x6FFFF;
	_ =	strace $0x9000004C  }
0xb3: {  	s29 =	simm.s32 $0x9;
	_ =	strace $0x8000004E  }
0xb4: {  	_ =	swait.ge [sflag:s29], $0x1  }
0xb5: {  	[sflag:s29] =	ssyncadd.s32 $0xFFFFFFFF  }
0xb6: {  	_ =	strace $0x9000004E  }
0xb7: {  	_ =	sfence  }
0xb8: {  	s30 =	sld [smem:$0x0];
	_ =	sdelay $0x2  }
0xb9: {  	s31 =	sshll.u32 s1, $0xD;
	s1 =	sshrl.u32 s1, $0x2  }
0xba: {  	s3 =	sand.u32 $0x4000, s31;
	s1 =	sadd.s32 s1, s30  }
0xbb: {  	s0 =	sor.u32 s3, s0;
	s1 =	sshll.u32 s1, $0x11  }
0xbc: {  	s0 =	sor.u32 s1, s0  }
0xbd: {  	s0 =	sadd.s32 $0x8F2B, s0  }
0xbe: {  	[sflag:s0] =	ssyncadd.remote.s32 $0x1  }
0xbf: {  	_ =	sfence.sel $0xFFFF  }
0xc0: {  	[dreg:$0x0] =	wrdreg $0xFFFFFFFF;
	(pc) =	sbr.abs _section_cstart, $3  }
0xc1: {  	[dreg:$0x1] =	wrdreg $0xFFFFFFFF  }
0xc2: {  	_ =	task.clear_ibuf [dreg:s7], $0x2FFFF;
	_ =	strace $0x9FFFFFFF  }
0xc3: {  	(tm) =	ssettm $0x7FFFFFFF  }
tec
execute0_lowered:
.L_overlay_start_1:
0x0: {  	(tag) =	ssettag $0x1  }
0x1: {  	s1 =	rddreg [dreg:$0x0]  }
0x2: {  	s5 =	rddreg [dreg:$0x1]  }
0x3: {  	s0 =	srdreg.scid;
	s3 =	rddreg [dreg:$0x2]  }
0x4: {  	s2 =	rddreg [dreg:$0x3];
	s4 =	simm.s32 $0x0;
	s14 =	simm.s32 $0x4F00  }
0x5: {  	s15 =	simm.s32 $0x6F00;
	s16 =	simm.s32 $0x100;
	s6 =	sand.u32 $0x1, s0  }
0x6: {  	s17 =	simm.s32 $0x8F00;
	s0 =	stileid.u32;
	s7 =	smul.u32 $0x27800, s6  }
0x7: {  	s18 =	simm.s32 $0x180;
	s19 =	simm.s32 $0xAF00;
	s8 =	smul.u32 $0x2780, s0  }
0x8: {  	s20 =	simm.s32 $0x200;
	s21 =	simm.s32 $0xCF00;
	s9 =	smul.u32 $0xA000, s0  }
0x9: {  	s22 =	simm.s32 $0x0;
	[smem:$0x7FF] =	sst s4;
	s26 =	smul.u32 $0xA0000, s6  }
0xa: {  	_ =	strace $0x8000004D;
	s6 =	ssub.s32 $0x2, s6;
	s31 =	sshll.u32 s0, $0x6  }
0xb: {  	s30 =	sshrl.u32 s6, $0x1;
	s7 =	sadd.s32 s8, s7;
	s28 =	sadd.s32 s9, s26  }
0xc: {  	s29 =	sshrl.u32 s9, $0x3;
	s12 =	ssub.s32 s6, s30;
	s13 =	sadd.s32 s9, s3  }
.Ltmp0:
0xd: {  	s6 =	sor.u32 $0x1C07, s31;
	s7 =	sshrl.u32 s7, $0x3;
	(pc) =	sbr.rel .LBB2_1-.Ltmp0, $4  }
0xe: {  	s8 =	sadd.s32 s29, s5;
	s10 =	sadd.s32 s7, s5;
	s7 =	sshrl.u32 s28, $0x3  }
0xf: {  	s11 =	sadd.s32 s7, s5;
	s5 =	sadd.s32 $0x74000, s8;
	s7 =	sadd.s32 $0xB200, s10  }
0x10: {  	s8 =	sadd.s32 $0x1400, s10;
	s10 =	smax.u32 s12, $0x1;
	s12 =	simm.s32 $0x7  }
0x11: {  	s9 =	sadd.s32 $0x88000, s11;
	s11 =	sshrl.u32 s13, $0x3;
	s13 =	simm.s32 $0x80  }
.LBB2_6:
0x12: {  	s22 =	sadd.s32 $0x1, s22  }
0x13: {  	p0 =	sne.s32 s22, s10  }
.Ltmp1:
0x14: {  	[bflag:$0x0] =	sbarrier.arrive $0xFFFF;
	(pc) =	sbr.rel @!p0 .LBB2_7-.Ltmp1, $4  }
0x15: {  	[hbm:s9], [sflag:s6] =	dma.local [spmem:s11], $0x1400  }
0x16: {  	_ =	swait.ge [sflag:s12], $0x1400  }
0x17: {  	[sflag:s12] =	ssyncset.done $0x0  }
0x18: {  	[sflag:s12] =	ssyncadd.s32 $0xFFFFEC00  }
.LBB2_1:
0x19: {  	[spmem:s11], [sflag:s6] =	dma.local [hbm:s5], $0x1400  }
0x1a: {  	_ =	swait.ge [sflag:s12], $0x1400  }
0x1b: {  	[sflag:s12] =	ssyncset.done $0x0  }
0x1c: {  	[sflag:s12] =	ssyncadd.s32 $0xFFFFEC00  }
0x1d: {  	[tilespmem:s4], [sflag:$0x7] =	stream.linear.gather [hbm4b:s7+s4], $0x2780, $0x38;
	[tilespmem:$0x1AF00] =	vst v63  }
0x1e: {  	_ =	swait.ge [sflag:s12], $0x2780  }
0x1f: {  	[sflag:s12] =	ssyncset.done $0x0  }
0x20: {  	s23 =	simm.s32 $0x2780;
	[sflag:s12] =	ssyncadd.s32 $0xFFFFD880  }
0x21: {  	[tilespmem:s23], [sflag:$0x7] =	stream.linear.gather [hbm4b:s8+s4], $0x2780, $0x38;
	[tilespmem:$0x1AF00] =	vst v63  }
0x22: {  	_ =	swait.ge [sflag:s12], $0x2780  }
0x23: {  	[sflag:s12] =	ssyncset.done $0x0  }
0x24: {  	[sflag:s12] =	ssyncadd.s32 $0xFFFFD880  }
0x25: {  	[bflag:$0x0] =	sbarrier.arrive $0xFFFF  }
0x26: {  	[tilespmem:s14], [sflag:$0x1] =	stream.indirect.gather [hbm4b:s1+s13], $0x40, s4, s13, $0xb8;
	[tilespmem:$0x1AF00] =	vst v63  }
0x27: {  	_ = 	snop  }
0x28: {  	[tilespmem:s15], [sflag:$0x2] =	stream.indirect.gather [hbm4b:s1+s13], $0x40, s13, s13, $0xb8;
	[tilespmem:$0x1AF00] =	vst v63  }
0x29: {  	_ = 	snop  }
0x2a: {  	[tilespmem:s17], [sflag:$0x3] =	stream.indirect.gather [hbm4b:s1+s13], $0x40, s16, s13, $0xb8;
	[tilespmem:$0x1AF00] =	vst v63  }
.Ltmp2:
0x2b: {  	_ = 	snop;
	(pc) =	sbr.rel .LBB2_2-.Ltmp2, $4  }
0x2c: {  	_ = 	snop  }
0x2d: {  	[tilespmem:s19], [sflag:$0x4] =	stream.indirect.gather [hbm4b:s1+s13], $0x40, s18, s13, $0xb8;
	[tilespmem:$0x1AF00] =	vst v63  }
0x2e: {  	s24 =	simm.s32 $0x280;
	s25 =	simm.s32 $0x0  }
0x2f: {  	[tilespmem:s21], [sflag:$0x5] =	stream.indirect.gather [hbm4b:s1+s13], $0x40, s20, s13, $0xb8;
	[tilespmem:$0x1AF00] =	vst v63  }
.LBB2_4:
0x30: {  	p0 =	seq.s32 s26, $0x3  }
0x31: {  	s28 =	simm.s32 @p0 $0x4  }
0x32: {  	p1 =	sgt.u32 @p0 s25, $0x49;
	_ =	swait.ge @p0 [sflag:s28], $0x2000  }
0x33: {  	p2 =	seq.s32 @!p0 s26, $0x4;
	p1 =	por p1, !p0;
	[sflag:s28] =	ssyncset.done @p0 $0x0  }
0x34: {  	s29 =	simm.s32 @!p1 $0x8F00;
	[sflag:s28] =	ssyncadd.s32 @p0 $0xFFFFE000;
	s28 =	simm.s32 @!p1 $0x80  }
0x35: {  	[tilespmem:s29], [sflag:$0x3] =	stream.indirect.gather @!p1 [hbm4b:s1+s28], $0x40, s24, s28, $0xb8;
	[tilespmem:$0x1AF00] =	vst v63  }
0x36: {  	s28 =	simm.s32 @p0 $0x80;
	p1 =	por !p2, p0  }
0x37: {  	s29 =	simm.s32 @p0 $0xAF00;
	p3 =	sgt.u32 @!p1 s25, $0x49;
	s26 =	simm.s32 @!p1 $0x5  }
0x38: {  	[spmem:s3] =	stream.indirect.scatter.add.f32 @p0 [tilespmem:s29], [sflag:$0x8], $0x40, s23, s28, $0xb8;
	[tilespmem:$0x1AF00] =	vst v63  }
0x39: {  	p3 =	por @!p0 p3, !p2;
	_ =	swait.ge @!p1 [sflag:s26], $0x2000  }
0x3a: {  	p3 =	por p3, p0;
	[sflag:s26] =	ssyncset.done @!p1 $0x0  }
0x3b: {  	s28 =	simm.s32 @!p3 $0xAF00;
	[sflag:s26] =	ssyncadd.s32 @!p1 $0xFFFFE000;
	s26 =	simm.s32 @!p3 $0x80  }
0x3c: {  	[tilespmem:s28], [sflag:$0x4] =	stream.indirect.gather @!p3 [hbm4b:s1+s26], $0x40, s24, s26, $0xb8;
	[tilespmem:$0x1AF00] =	vst v63  }
0x3d: {  	s26 =	simm.s32 @!p1 $0x80;
	s28 =	simm.s32 @!p1 $0xCF00;
	p3 =	por p2, p0  }
0x3e: {  	[spmem:s3] =	stream.indirect.scatter.add.f32 @!p1 [tilespmem:s28], [sflag:$0x8], $0x40, s23, s26, $0xb8;
	[tilespmem:$0x1AF00] =	vst v63  }
0x3f: {  	p4 =	sgt.u32 @!p3 s25, $0x49;
	s26 =	simm.s32 @!p3 $0x6  }
0x40: {  	p2 =	por @!p0 p4, p2;
	_ =	swait.ge @!p3 [sflag:s26], $0x2000  }
0x41: {  	p2 =	por p2, p0;
	[sflag:s26] =	ssyncset.done @!p3 $0x0  }
0x42: {  	s28 =	simm.s32 @!p2 $0xCF00;
	[sflag:s26] =	ssyncadd.s32 @!p3 $0xFFFFE000;
	s26 =	simm.s32 @!p2 $0x80  }
0x43: {  	[tilespmem:s28], [sflag:$0x5] =	stream.indirect.gather @!p2 [hbm4b:s1+s26], $0x40, s24, s26, $0xb8;
	[tilespmem:$0x1AF00] =	vst v63  }
0x44: {  	s26 =	simm.s32 @!p1 $0x8  }
0x45: {  	s29 =	simm.s32 @!p3 $0xEF00;
	s28 =	simm.s32 @!p3 $0x80;
	s26 =	simm.s32 @p1 $0x7  }
0x46: {  	[spmem:s3] =	stream.indirect.scatter.add.f32 @!p3 [tilespmem:s29], [sflag:$0x7], $0x40, s23, s28, $0xb8;
	[tilespmem:$0x1AF00] =	vst v63  }
0x47: {  	s26 =	simm.s32 @p0 $0x8  }
.LBB2_5:
0x48: {  	s25 =	sadd.s32 $0x1, s25  }
0x49: {  	p0 =	sne.s32 s25, $0x4F  }
.Ltmp3:
0x4a: {  	_ = 	snop;
	(pc) =	sbr.rel @!p0 .LBB2_6-.Ltmp3, $4  }
0x4b: {  	_ = 	snop  }
0x4c: {  	_ =	swait.ge [sflag:s26], $0x2000  }
0x4d: {  	[sflag:s26] =	ssyncset.done $0x0  }
0x4e: {  	s24 =	sadd.s32 $0x80, s24;
	s23 =	sadd.s32 $0x80, s23;
	[sflag:s26] =	ssyncadd.s32 $0xFFFFE000  }
.LBB2_2:
0x4f: {  	s26 =	smul.u32 $0xAB, s25;
	_ =	sdelay $0x1  }
0x50: {  	s26 =	sshrl.u32 s26, $0xA  }
0x51: {  	s26 =	sand.u32 $0x3F, s26  }
0x52: {  	s26 =	smul.u32 $0x6, s26;
	_ =	sdelay $0x1  }
0x53: {  	s26 =	ssub.s32 s25, s26  }
0x54: {  	s26 =	sand.u32 $0xFF, s26  }
0x55: {  	p0 =	sgt.s32 s26, $0x2  }
.Ltmp4:
0x56: {  	_ = 	snop;
	(pc) =	sbr.rel @p0 .LBB2_4-.Ltmp4, $1  }
0x57: {  	_ =	sdelay $0x3  }
0x58: {  	p0 =	seq.s32 s26, $0x0  }
0x59: {  	s28 =	simm.s32 @p0 $0x1  }
0x5a: {  	p1 =	sgt.u32 @p0 s25, $0x49;
	_ =	swait.ge @p0 [sflag:s28], $0x2000  }
0x5b: {  	p2 =	seq.s32 @!p0 s26, $0x1;
	p1 =	por p1, !p0;
	[sflag:s28] =	ssyncset.done @p0 $0x0  }
0x5c: {  	s29 =	simm.s32 @!p1 $0xEF00;
	[sflag:s28] =	ssyncadd.s32 @p0 $0xFFFFE000;
	s28 =	simm.s32 @!p1 $0x80  }
0x5d: {  	[tilespmem:s29], [sflag:$0x6] =	stream.indirect.gather @!p1 [hbm4b:s1+s28], $0x40, s24, s28, $0xb8;
	[tilespmem:$0x1AF00] =	vst v63  }
0x5e: {  	s28 =	simm.s32 @p0 $0x80;
	p1 =	por !p2, p0  }
0x5f: {  	s29 =	simm.s32 @p0 $0x4F00;
	p3 =	sgt.u32 @!p1 s25, $0x49;
	s26 =	simm.s32 @!p1 $0x2  }
0x60: {  	[spmem:s3] =	stream.indirect.scatter.add.f32 @p0 [tilespmem:s29], [sflag:$0x8], $0x40, s23, s28, $0xb8;
	[tilespmem:$0x1AF00] =	vst v63  }
0x61: {  	p3 =	por @!p0 p3, !p2;
	_ =	swait.ge @!p1 [sflag:s26], $0x2000  }
0x62: {  	p3 =	por p3, p0;
	[sflag:s26] =	ssyncset.done @!p1 $0x0  }
0x63: {  	s28 =	simm.s32 @!p3 $0x4F00;
	[sflag:s26] =	ssyncadd.s32 @!p1 $0xFFFFE000;
	s26 =	simm.s32 @!p3 $0x80  }
0x64: {  	[tilespmem:s28], [sflag:$0x1] =	stream.indirect.gather @!p3 [hbm4b:s1+s26], $0x40, s24, s26, $0xb8;
	[tilespmem:$0x1AF00] =	vst v63  }
0x65: {  	s26 =	simm.s32 @!p1 $0x80;
	s28 =	simm.s32 @!p1 $0x6F00;
	p3 =	por p2, p0  }
0x66: {  	[spmem:s3] =	stream.indirect.scatter.add.f32 @!p1 [tilespmem:s28], [sflag:$0x8], $0x40, s23, s26, $0xb8;
	[tilespmem:$0x1AF00] =	vst v63  }
0x67: {  	p4 =	sgt.u32 @!p3 s25, $0x49;
	s26 =	simm.s32 @!p3 $0x3  }
0x68: {  	p2 =	por @!p0 p4, p2;
	_ =	swait.ge @!p3 [sflag:s26], $0x2000  }
0x69: {  	p2 =	por p2, p0;
	[sflag:s26] =	ssyncset.done @!p3 $0x0  }
0x6a: {  	s28 =	simm.s32 @!p2 $0x6F00;
	[sflag:s26] =	ssyncadd.s32 @!p3 $0xFFFFE000;
	s26 =	simm.s32 @!p2 $0x80  }
0x6b: {  	[tilespmem:s28], [sflag:$0x2] =	stream.indirect.gather @!p2 [hbm4b:s1+s26], $0x40, s24, s26, $0xb8;
	[tilespmem:$0x1AF00] =	vst v63  }
.Ltmp5:
0x6c: {  	_ = 	snop;
	(pc) =	sbr.rel .LBB2_5-.Ltmp5, $4  }
0x6d: {  	s26 =	simm.s32 @!p1 $0x8  }
0x6e: {  	s29 =	simm.s32 @!p3 $0x8F00;
	s28 =	simm.s32 @!p3 $0x80;
	s26 =	simm.s32 @p1 $0x8  }
0x6f: {  	[spmem:s3] =	stream.indirect.scatter.add.f32 @!p3 [tilespmem:s29], [sflag:$0x8], $0x40, s23, s28, $0xb8;
	[tilespmem:$0x1AF00] =	vst v63  }
0x70: {  	s26 =	simm.s32 @p0 $0x8  }
.LBB2_7:
0x71: {  	_ =	sfence.sel $0x180000  }
0x72: {  	[bflag:$0x0] =	sbarrier.arrive $0xFFFF  }
0x73: {  	p0 =	sne.s32 s0, $0x0;
	_ =	strace $0x9000004D  }
0x74: {  	s0 =	sadd.s32 @!p0 $0x100000, s2;
	[bflag:$0x2] =	sbarrier.arrive $0xFFFF  }
0x75: {  	[sflag:s0] =	ssyncadd.tile.s32 @!p0 $0x1;
	_ =	shalt  }
.Lfunc_end2:
_tile_overlayer_lowered:
.L_overlay_start_2:
0x76: {  	(tag) =	ssettag $0x2  }
0x77: {  	s0 =	rddreg [dreg:$0x0];
	s2 =	stileid.u32  }
0x78: {  	s1 =	rddreg [dreg:$0x1];
	p0 =	sne.s32 s2, $0x0  }
0x79: {  	s3 =	rddreg [dreg:$0x2];
	[bflag:$0x3] =	sbarrier.arrive $0xFFFF;
	s2 =	simm.s32 @!p0 $0x1C07  }
0x7a: {  	[timem:s3], [sflag:s2] =	dma.local @!p0 [hbm:s0], s1  }
0x7b: {  	s0 =	simm.s32 @!p0 $0x7  }
0x7c: {  	_ =	swait.ge @!p0 [sflag:s0], s1  }
0x7d: {  	s1 =	ssub.s32 @!p0 $0x0, s1;
	[sflag:s0] =	ssyncset.done @!p0 $0x0  }
0x7e: {  	[sflag:s0] =	ssyncadd.s32 @!p0 s1  }
0x7f: {  	[bflag:$0x3] =	sbarrier.arrive $0xFFFF  }
0x80: {  	_ =	shalt  }

// kernel: kernel.8.cloned.1.call-start
scs
__scs_entry_jumppad:
0x0: {  	(pc) =	sbr.rel $0x88, $3  }
0x1: {  	(tag) =	ssettag $0x0;
	lr =	simm.s32 $0x1  }
0x2: {  	[smem:$0x3F9B] =	sst lr;
	_ =	strace $0xD0000000  }
0x3: {  	_ = 	snop  }
0x4: {  	_ = 	snop  }
0x5: {  	_ = 	snop  }
0x6: {  	_ = 	snop  }
0x7: {  	_ = 	snop  }
__scs_overlays_trampoline_lowered:
0x8: {  	[smem:$0x3FAA] =	sst s0  }
0x9: {  	[smem:$0x3FAB] =	sst s1  }
0xa: {  	[smem:$0x3FAC] =	sst s2  }
0xb: {  	[smem:$0x3FAD] =	sst s3  }
0xc: {  	[smem:$0x3FAE] =	sst s4  }
0xd: {  	[smem:$0x3FAF] =	sst s5  }
0xe: {  	[smem:$0x3FB0] =	sst s6  }
0xf: {  	[smem:$0x3FB1] =	sst s7  }
0x10: {  	[smem:$0x3FB2] =	sst s8  }
0x11: {  	[smem:$0x3FB3] =	sst s9;
	s0 =	simm.s32 @!p0 $0x0  }
0x12: {  	s1 =	sld [smem:$0x3F99];
	s0 =	simm.s32 @p0 $0x1  }
0x13: {  	[smem:$0x3FB4] =	sst s0;
	s0 =	simm.s32 @!p1 $0x0  }
0x14: {  	s2 =	sld [smem:$0x3F98];
	s0 =	simm.s32 @p1 $0x1  }
0x15: {  	[smem:$0x3FB5] =	sst s0;
	s0 =	simm.s32 @!p2 $0x0  }
0x16: {  	s3 =	sld [smem:$0x3FDB];
	s0 =	simm.s32 @p2 $0x1  }
0x17: {  	s4 =	simm.s32 $0x1BF5;
	[smem:$0x3FB7] =	sst s0  }
0x18: {  	s0 =	sld [smem:$0x3F9A];
	_ =	swait.ge [sflag:s4], $0x0  }
0x19: {  	s7 =	sld [smem:$0x3F9B]  }
0x1a: {  	s8 =	sadd.s32 $0xFFFFE003, lr  }
0x1b: {  	s9 =	sadd.s32 $0xFFFFFEF7, lr;
	s5 =	simm.s32 $0xFFFFFFFF;
	p2 =	slt.u32 s8, $0xFFFFF086  }
0x1c: {  	p1 =	slt.u32 s9, $0xF7A;
	s5 =	simm.s32 @!p2 $0x0  }
0x1d: {  	s5 =	simm.s32 @p1 $0x1;
	p0 =	seq.s32 s7, s2  }
0x1e: {  	s7 =	smul.u32 @!p0 $0xF7A, s2;
	p2 =	seq.s32 @!p0 s5, $0x0  }
0x1f: {  	s9 =	smul.u32 $0xF7A, s1;
	s8 =	simm.s32 @!p0 $0x1BF5;
	p2 =	por !p2, p0  }
0x20: {  	[sflag:s8] =	ssyncset.s32 @!p0 $0xFFFFF086;
	s6 =	sadd.s32 @!p0 s3, s7;
	s7 =	simm.s32 @!p0 $0x108  }
0x21: {  	s3 =	sadd.s32 s3, s9;
	s6 =	sadd.s32 @!p0 $0x88, s6;
	s7 =	simm.s32 @p2 $0x1082  }
0x22: {  	[simem:s7], [sflag:s8] =	dma.local @!p0 [hbm:s6], $0xF7A  }
0x23: {  	s9 =	sor.u32 $0xD0000000, s2;
	s6 =	simm.s32 $0x108;
	_ =	swait.ge @!p0 [sflag:s8], $0x0  }
0x24: {  	s3 =	sadd.s32 $0x88, s3;
	s6 =	simm.s32 @!p1 $0x1082;
	[sflag:s4] =	ssyncset.s32 $0xFFFFF086  }
0x25: {  	[simem:s6], [sflag:s4] =	dma.local [hbm:s3], $0xF7A  }
0x26: {  	[smem:$0x3F9B] =	sst s1;
	(tag) =	ssettag s2;
	_ =	strace s9  }
0x27: {  	s1 =	sld [smem:$0x3FAB]  }
0x28: {  	s2 =	sld [smem:$0x3FAC]  }
0x29: {  	s4 =	sld [smem:$0x3FAE]  }
0x2a: {  	p0 =	seq.s32 s5, $0x0;
	s5 =	sld [smem:$0x3FAF]  }
0x2b: {  	s6 =	sld [smem:$0x3FB0]  }
0x2c: {  	s7 =	sld [smem:$0x3FB1]  }
0x2d: {  	s3 =	simm.s32 $0x108;
	s8 =	sld [smem:$0x3FB2]  }
0x2e: {  	s3 =	simm.s32 @!p0 $0x1082;
	s9 =	sld [smem:$0x3FB3]  }
0x2f: {  	lr =	sadd.s32 s0, s3;
	s0 =	sld [smem:$0x3FAA]  }
0x30: {  	s3 =	sld [smem:$0x3FAD]  }
0x31: {  	[smem:$0x3FB6] =	sst s10  }
0x32: {  	s10 =	sld [smem:$0x3FB4];
	_ =	sdelay $0x3  }
0x33: {  	p0 =	seq.s32 s10, $0x1;
	s10 =	sld [smem:$0x3FB6];
	_ =	sdelay $0x3  }
0x34: {  	[smem:$0x3FB6] =	sst s10  }
0x35: {  	s10 =	sld [smem:$0x3FB5];
	_ =	sdelay $0x3  }
0x36: {  	p1 =	seq.s32 s10, $0x1;
	s10 =	sld [smem:$0x3FB6];
	_ =	sdelay $0x3  }
0x37: {  	[smem:$0x3FB6] =	sst s10  }
0x38: {  	s10 =	sld [smem:$0x3FB7]  }
0x39: {  	_ = 	snop;
	(pc) =	sbr.ind lr, $3  }
0x3a: {  	_ = 	snop  }
0x3b: {  	_ = 	snop  }
0x3c: {  	p2 =	seq.s32 s10, $0x1;
	s10 =	sld [smem:$0x3FB6]  }
0x3d: {  	_ =	shalt  }
0x3e: {  	_ =	shalt  }
0x3f: {  	_ =	shalt  }
0x40: {  	_ =	shalt  }
0x41: {  	_ =	shalt  }
0x42: {  	_ =	shalt  }
0x43: {  	_ =	shalt  }
0x44: {  	_ =	shalt  }
0x45: {  	_ =	shalt  }
0x46: {  	_ =	shalt  }
0x47: {  	_ =	shalt  }
0x48: {  	_ =	shalt  }
0x49: {  	_ =	shalt  }
0x4a: {  	_ =	shalt  }
0x4b: {  	_ =	shalt  }
0x4c: {  	_ =	shalt  }
0x4d: {  	_ =	shalt  }
0x4e: {  	_ =	shalt  }
0x4f: {  	_ =	shalt  }
0x50: {  	_ =	shalt  }
0x51: {  	_ =	shalt  }
0x52: {  	_ =	shalt  }
0x53: {  	_ =	shalt  }
0x54: {  	_ =	shalt  }
0x55: {  	_ =	shalt  }
0x56: {  	_ =	shalt  }
0x57: {  	_ =	shalt  }
0x58: {  	_ =	shalt  }
0x59: {  	_ =	shalt  }
0x5a: {  	_ =	shalt  }
0x5b: {  	_ =	shalt  }
0x5c: {  	_ =	shalt  }
0x5d: {  	_ =	shalt  }
0x5e: {  	_ =	shalt  }
0x5f: {  	_ =	shalt  }
0x60: {  	_ =	shalt  }
0x61: {  	_ =	shalt  }
0x62: {  	_ =	shalt  }
0x63: {  	_ =	shalt  }
0x64: {  	_ =	shalt  }
0x65: {  	_ =	shalt  }
0x66: {  	_ =	shalt  }
0x67: {  	_ =	shalt  }
0x68: {  	_ =	shalt  }
0x69: {  	_ =	shalt  }
0x6a: {  	_ =	shalt  }
0x6b: {  	_ =	shalt  }
0x6c: {  	_ =	shalt  }
0x6d: {  	_ =	shalt  }
0x6e: {  	_ =	shalt  }
0x6f: {  	_ =	shalt  }
0x70: {  	_ =	shalt  }
0x71: {  	_ =	shalt  }
0x72: {  	_ =	shalt  }
0x73: {  	_ =	shalt  }
0x74: {  	_ =	shalt  }
0x75: {  	_ =	shalt  }
0x76: {  	_ =	shalt  }
0x77: {  	_ =	shalt  }
0x78: {  	_ =	shalt  }
0x79: {  	_ =	shalt  }
0x7a: {  	_ =	shalt  }
0x7b: {  	_ =	shalt  }
0x7c: {  	_ =	shalt  }
0x7d: {  	_ =	shalt  }
0x7e: {  	_ =	shalt  }
0x7f: {  	_ =	shalt  }
0x80: {  	_ =	shalt  }
0x81: {  	_ =	shalt  }
0x82: {  	_ =	shalt  }
0x83: {  	_ =	shalt  }
0x84: {  	_ =	shalt  }
0x85: {  	_ =	shalt  }
0x86: {  	_ =	shalt  }
0x87: {  	_ =	shalt  }
.Lfunc_end0:
.L_simem_size_0:
called_computation_lowered:
.L_overlay_start_0:
0x88: {  	s2 =	sld [smem:$0x3FD9]  }
0x89: {  	s3 =	sld [smem:$0x3FFE];
	_ =	sdelay $0x1  }
0x8a: {  	s1 =	srdreg.scid  }
0x8b: {  	s0 =	sand.u32 $0x1, s1  }
0x8c: {  	s16 =	sshll.u32 s0, $0xA;
	s2 =	sadd.s32 s3, s2  }
0x8d: {  	s2 =	sadd.s32 s2, s16  }
0x8e: {  	[smem:$0x3FC2] =	sst s2  }
0x8f: {  	_ = 	snop  }
0x90: {  	(tm) =	ssettm $0x1  }
0x91: {  	s17 =	sld [smem:$0x3FFB];
	_ =	sdelay $0x3  }
0x92: {  	_ =	strace s17  }
0x93: {  	s2 =	sld [smem:$0x3FFC];
	_ =	sdelay $0x3  }
0x94: {  	_ =	strace s2  }
0x95: {  	s2 =	sld [smem:$0x3FFD];
	_ =	sdelay $0x3  }
0x96: {  	_ =	strace s2  }
0x97: {  	_ =	strace $0x8FFFFFFF  }
0x98: {  	s18 =	sld [smem:$0x3FDB];
	_ =	sdelay $0x1  }
0x99: {  	s19 =	simm.s32 $_scs_section_size  }
0x9a: {  	s4 =	simm.s32 $_size__tile_overlayer_lowered;
	s5 =	simm.s32 $_tile_overlayer_lowered  }
0x9b: {  	s22 =	simm.s32 $0x1BFF;
	s21 =	sshll.u32 s5, $0x1;
	s2 =	sadd.s32 s19, s18  }
0x9c: {  	s6 =	simm.s32 $0x0;
	s20 =	sshll.u32 s4, $0x1;
	s4 =	sadd.s32 s21, s2  }
0x9d: {  	[timem:s6], [sflag:s22] =	dma.local [hbm:s4], s20  }
0x9e: {  	_ =	swait.ge [sflag:s22], s20  }
0x9f: {  	s3 =	ssub.s32 $0x0, s20;
	[sflag:s22] =	ssyncset.done $0x0  }
0xa0: {  	[sflag:s22] =	ssyncadd.s32 s3;
	_ =	sdelay $0x1  }
0xa1: {  	s23 =	simm.s32 $0x1B8B  }
0xa2: {  	_ =	swait.ge [sflag:s23], $0x1  }
0xa3: {  	[sflag:s23] =	ssyncset.done $0x0  }
0xa4: {  	s25 =	simm.s32 $0x1B8E;
	s24 =	sld [smem:$0x3FFE];
	[sflag:s23] =	ssyncadd.s32 $0xFFFFFFFF  }
0xa5: {  	s26 =	simm.s32 $execute0_lowered;
	[smem:$0x3FD2] =	sst s25  }
0xa6: {  	s4 =	sshll.u32 s26, $0x1;
	_ =	strace $0x80000046;
	[dreg:$0x1] =	wrdreg $0xFFFFFFFF  }
0xa7: {  	s28 =	simm.s32 $_size_execute0_lowered;
	s2 =	sadd.s32 s2, s4;
	[dreg:$0x0] =	wrdreg $0x0  }
0xa8: {  	s4 =	sshll.u32 s28, $0x1;
	[dreg:$0x2] =	wrdreg s2  }
0xa9: {  	[dreg:$0x3] =	wrdreg s4  }
0xaa: {  	[dreg:$0x4] =	wrdreg $0xC0  }
0xab: {  	_ =	task [dreg:s6], $0x5FFFF  }
0xac: {  	[dreg:$0x1] =	wrdreg $0xFFFFFFFF  }
0xad: {  	[dreg:$0x0] =	wrdreg $0x60  }
0xae: {  	[dreg:$0x2] =	wrdreg s24  }
0xaf: {  	[dreg:$0x3] =	wrdreg $0x2F800  }
0xb0: {  	[dreg:$0x4] =	wrdreg $0x9  }
0xb1: {  	_ =	task.clear_ibuf [dreg:s6], $0x5FFFF;
	_ =	strace $0x90000046  }
0xb2: {  	s29 =	simm.s32 $0x9;
	_ =	strace $0x80000048  }
0xb3: {  	_ =	swait.ge [sflag:s29], $0x1  }
0xb4: {  	[sflag:s29] =	ssyncadd.s32 $0xFFFFFFFF  }
0xb5: {  	_ =	strace $0x90000048  }
0xb6: {  	_ =	sfence  }
0xb7: {  	s30 =	sld [smem:$0x0];
	_ =	sdelay $0x2  }
0xb8: {  	s31 =	sshll.u32 s1, $0xD;
	s1 =	sshrl.u32 s1, $0x2  }
0xb9: {  	s3 =	sand.u32 $0x4000, s31;
	s1 =	sadd.s32 s1, s30  }
0xba: {  	s0 =	sor.u32 s3, s0;
	s1 =	sshll.u32 s1, $0x11  }
0xbb: {  	s0 =	sor.u32 s1, s0  }
0xbc: {  	s0 =	sadd.s32 $0x8F2B, s0  }
0xbd: {  	[sflag:s0] =	ssyncadd.remote.s32 $0x1  }
0xbe: {  	_ =	sfence.sel $0xFFFF  }
0xbf: {  	[dreg:$0x0] =	wrdreg $0xFFFFFFFF;
	(pc) =	sbr.abs _section_cstart, $3  }
0xc0: {  	[dreg:$0x1] =	wrdreg $0xFFFFFFFF  }
0xc1: {  	_ =	task.clear_ibuf [dreg:s6], $0x2FFFF;
	_ =	strace $0x9FFFFFFF  }
0xc2: {  	(tm) =	ssettm $0x7FFFFFFF  }
0xc3: {  	_ =	shalt  }
tec
execute0_lowered:
.L_overlay_start_1:
0x0: {  	(tag) =	ssettag $0x1  }
0x1: {  	s0 =	srdreg.scid;
	s4 =	rddreg [dreg:$0x0]  }
0x2: {  	s2 =	rddreg [dreg:$0x1];
	s5 =	sand.u32 $0x1, s0  }
0x3: {  	s0 =	stileid.u32;
	s6 =	smul.u32 $0x27800, s5  }
0x4: {  	s1 =	rddreg [dreg:$0x2];
	s3 =	simm.s32 $0x0;
	s7 =	smul.u32 $0x2780, s0  }
0x5: {  	s12 =	simm.s32 $0x2780;
	s13 =	simm.s32 $0x0;
	s8 =	smul.u32 $0x2800, s0  }
0x6: {  	[smem:$0x7FF] =	sst s3;
	s30 =	smul.u32 $0x28000, s5;
	s5 =	ssub.s32 $0x2, s5  }
0x7: {  	_ =	strace $0x80000047;
	s31 =	sshll.u32 s0, $0x6;
	s10 =	sshrl.u32 s5, $0x1  }
0x8: {  	s6 =	sadd.s32 s7, s6;
	s7 =	sadd.s32 s8, s30;
	s9 =	sshrl.u32 s8, $0x3  }
0x9: {  	s10 =	ssub.s32 s5, s10;
	s11 =	sadd.s32 s8, s2;
	s5 =	sor.u32 $0x1C01, s31  }
0xa: {  	s6 =	sshrl.u32 s6, $0x3;
	s7 =	sshrl.u32 s7, $0x3;
	s9 =	sadd.s32 s9, s4  }
0xb: {  	s8 =	smax.u32 s10, $0x1;
	s10 =	simm.s32 $0x1;
	s6 =	sadd.s32 s6, s4  }
0xc: {  	s7 =	sadd.s32 s7, s4;
	s4 =	sadd.s32 $0xB200, s9;
	s9 =	sshrl.u32 s11, $0x3  }
0xd: {  	v0 =	vimm.f32 $1.000000000e+00;
	s11 =	simm.s32 $0x80;
	s6 =	sadd.s32 $0x1400, s6;
	s7 =	sadd.s32 $0x10200, s7  }
.LBB2_1:
0xe: {  	[spmem:s9], [sflag:s5] =	dma.local [hbm:s4], $0x500  }
0xf: {  	_ =	swait.ge [sflag:s10], $0x500  }
0x10: {  	[sflag:s10] =	ssyncset.done $0x0  }
0x11: {  	[sflag:s10] =	ssyncadd.s32 $0xFFFFFB00  }
0x12: {  	[tilespmem:s3], [sflag:$0x1] =	stream.linear.gather [hbm4b:s6+s3], $0x2780, $0x38;
	[tilespmem:$0x5780] =	vst v63  }
0x13: {  	_ =	swait.ge [sflag:s10], $0x2780  }
0x14: {  	[sflag:s10] =	ssyncset.done $0x0  }
0x15: {  	s14 =	simm.s32 $0x40;
	s15 =	simm.s32 $0x0;
	[sflag:s10] =	ssyncadd.s32 $0xFFFFD880  }
.LBB2_2:
0x16: {  	p0 =	sne.s32 s14, $0x1FC0;
	[tilespmem:s15+$0x2780] =	vst v0;
	s15 =	smov.u32 s14;
	s14 =	sadd.s32 $0x40, s14  }
.Ltmp0:
0x17: {  	(pc) =	sbr.rel @p0 .LBB2_2-.Ltmp0, $2  }
0x18: {  	_ =	sdelay $0x2  }
0x19: {  	s15 =	sshra.s32 s15, $0x2  }
0x1a: {  	[tilespmem:s15+$0x2780] =	vst v0  }
0x1b: {  	s14 =	simm.s32 $0x0;
	[bflag:$0x0] =	sbarrier.arrive $0xFFFF  }
0x1c: {  	[spmem:s2] =	stream.indirect.scatter.add.f32 [tilespmem:s12], [sflag:$0x1], $0x10, s14, s11, $0xb8;
	[tilespmem:$0x5780] =	vst v63  }
0x1d: {  	_ =	swait.ge [sflag:s10], $0x800  }
0x1e: {  	s14 =	simm.s32 $0x200;
	[sflag:s10] =	ssyncset.done $0x0  }
.LBB2_4:
0x1f: {  	s15 =	sshra.s32 s14, $0x2;
	[sflag:s10] =	ssyncadd.s32 $0xFFFFF800;
	p0 =	sne.s32 s14, $0x9C00  }
0x20: {  	[spmem:s2] =	stream.indirect.scatter.add.f32 [tilespmem:s12], [sflag:$0x1], $0x10, s15, s11, $0xb8;
	[tilespmem:$0x5780] =	vst v63  }
.Ltmp1:
0x21: {  	_ = 	snop;
	(pc) =	sbr.rel @p0 .LBB2_4-.Ltmp1, $4  }
0x22: {  	_ = 	snop  }
0x23: {  	s14 =	sadd.s32 $0x200, s14  }
0x24: {  	_ =	swait.ge [sflag:s10], $0x800  }
0x25: {  	[sflag:s10] =	ssyncset.done $0x0  }
0x26: {  	s13 =	sadd.s32 $0x1, s13  }
0x27: {  	[sflag:s10] =	ssyncadd.s32 $0xFFFFF800;
	p0 =	sne.s32 s13, s8  }
.Ltmp2:
0x28: {  	[bflag:$0x0] =	sbarrier.arrive $0xFFFF;
	(pc) =	sbr.rel @p0 .LBB2_1-.Ltmp2, $4  }
0x29: {  	[hbm:s7], [sflag:s5] =	dma.local [spmem:s9], $0x500  }
0x2a: {  	_ =	swait.ge [sflag:s10], $0x500  }
0x2b: {  	[sflag:s10] =	ssyncset.done $0x0  }
0x2c: {  	[sflag:s10] =	ssyncadd.s32 $0xFFFFFB00  }
0x2d: {  	_ =	sfence.sel $0x180000  }
0x2e: {  	[bflag:$0x0] =	sbarrier.arrive $0xFFFF  }
0x2f: {  	p0 =	sne.s32 s0, $0x0;
	_ =	strace $0x90000047  }
0x30: {  	s0 =	sadd.s32 @!p0 $0x100000, s1;
	[bflag:$0x2] =	sbarrier.arrive $0xFFFF  }
0x31: {  	[sflag:s0] =	ssyncadd.tile.s32 @!p0 $0x1;
	_ =	shalt  }
.Lfunc_end2:
_tile_overlayer_lowered:
.L_overlay_start_2:
0x32: {  	(tag) =	ssettag $0x2  }
0x33: {  	s0 =	rddreg [dreg:$0x0];
	s2 =	stileid.u32  }
0x34: {  	s1 =	rddreg [dreg:$0x1];
	p0 =	sne.s32 s2, $0x0  }
0x35: {  	s3 =	rddreg [dreg:$0x2];
	[bflag:$0x3] =	sbarrier.arrive $0xFFFF;
	s2 =	simm.s32 @!p0 $0x1C01  }
0x36: {  	[timem:s3], [sflag:s2] =	dma.local @!p0 [hbm:s0], s1  }
0x37: {  	s0 =	simm.s32 @!p0 $0x1  }
0x38: {  	_ =	swait.ge @!p0 [sflag:s0], s1  }
0x39: {  	s1 =	ssub.s32 @!p0 $0x0, s1;
	[sflag:s0] =	ssyncset.done @!p0 $0x0  }
0x3a: {  	[sflag:s0] =	ssyncadd.s32 @!p0 s1  }
0x3b: {  	[bflag:$0x3] =	sbarrier.arrive $0xFFFF  }
0x3c: {  	_ =	shalt  }

</sc_bundles>
